<compile_context>
chip_gen: v7x
topology: tpu7x:2x2x1
jax: 0.10.2.dev20260603
libtpu: 0.0.44.dev20260713+nightly
codegen_flags: <defaults>
</compile_context>

<pallas_src>
import functools

import jax
import jax.numpy as jnp
from jax import lax
from jax.experimental import pallas as pl
from jax.experimental.pallas import tpu as pltpu
from jax.experimental.pallas import tpu_sc as plsc

NPAD = 10240
EPAD = 163840
NC, NS = 2, 16
NT = NC * NS
EPT = EPAD // NT
CH = 128
NCHUNK = EPT // CH
NCH0 = 60
NCH1 = 20
RPT = NPAD // NS
DW = 128
RB = 512
GRID = NPAD // RB

_mesh = plsc.VectorSubcoreMesh(core_axis_name="c", subcore_axis_name="s")


def _deg_body(dst_hbm, ones_hbm, zero_hbm, out_hbm, idxd0, idxd1, ones_v,
              acc_sh, isem0, isem1):
    c = lax.axis_index("c")
    s = lax.axis_index("s")
    wid = c * NS + s
    base = s * RPT
    ebase = wid * EPT

    pltpu.sync_copy(ones_hbm, ones_v)
    pltpu.sync_copy(zero_hbm, acc_sh.at[pl.ds(base, RPT)])

    pltpu.async_copy(dst_hbm.at[pl.ds(ebase, CH)], idxd0, isem0)
    plsc.subcore_barrier()

    def body(g, _):
        j0 = 2 * g
        pltpu.async_copy(dst_hbm.at[pl.ds(ebase + (j0 + 1) * CH, CH)],
                         idxd1, isem1)
        pltpu.make_async_copy(dst_hbm.at[pl.ds(0, CH)], idxd0, isem0).wait()
        pltpu.sync_copy(ones_v, acc_sh.at[idxd0], add=True)

        @pl.when(j0 + 2 < NCHUNK)
        def _():
            pltpu.async_copy(dst_hbm.at[pl.ds(ebase + (j0 + 2) * CH, CH)],
                             idxd0, isem0)

        pltpu.make_async_copy(dst_hbm.at[pl.ds(0, CH)], idxd1, isem1).wait()
        pltpu.sync_copy(ones_v, acc_sh.at[idxd1], add=True)
        return 0

    lax.fori_loop(0, NCHUNK // 2, body, 0)
    plsc.subcore_barrier()
    pltpu.sync_copy(acc_sh.at[pl.ds(base, RPT)],
                    out_hbm.at[pl.ds(c * NPAD + base, RPT)])


_sc_deg = functools.partial(
    pl.kernel,
    out_type=jax.ShapeDtypeStruct((NC * NPAD, DW), jnp.float32),
    mesh=_mesh,
    scratch_types=[
        pltpu.VMEM((CH,), jnp.int32),
        pltpu.VMEM((CH,), jnp.int32),
        pltpu.VMEM((CH, DW), jnp.float32),
        pltpu.VMEM_SHARED((NPAD, DW), jnp.float32),
        pltpu.SemaphoreType.DMA,
        pltpu.SemaphoreType.DMA,
    ],
)(_deg_body)


def _prop_body(hs_hbm, src_hbm, dst_hbm, zero_hbm, out_hbm,
               idxs0, idxs1, idxd0, idxd1, rows0, rows1,
               acc_sh, ssem0, ssem1, dsem0, dsem1, gsem0, gsem1):
    c = lax.axis_index("c")
    s = lax.axis_index("s")
    base = s * RPT
    nch = jnp.where(c == 0, NCH0, NCH1)
    ebase = jnp.where(c == 0, s * NCH0, NS * NCH0 + s * NCH1) * CH

    pltpu.sync_copy(zero_hbm, acc_sh.at[pl.ds(base, RPT)])

    pltpu.async_copy(src_hbm.at[pl.ds(ebase, CH)], idxs0, ssem0)
    pltpu.async_copy(dst_hbm.at[pl.ds(ebase, CH)], idxd0, dsem0)
    pltpu.make_async_copy(src_hbm.at[pl.ds(0, CH)], idxs0, ssem0).wait()
    pltpu.async_copy(hs_hbm.at[idxs0], rows0, gsem0)
    plsc.subcore_barrier()

    def body(g, _):
        j0 = 2 * g

        pltpu.async_copy(src_hbm.at[pl.ds(ebase + (j0 + 1) * CH, CH)],
                         idxs1, ssem1)
        pltpu.async_copy(dst_hbm.at[pl.ds(ebase + (j0 + 1) * CH, CH)],
                         idxd1, dsem1)
        pltpu.make_async_copy(src_hbm.at[pl.ds(0, CH)], idxs1, ssem1).wait()
        pltpu.async_copy(hs_hbm.at[idxs1], rows1, gsem1)

        pltpu.make_async_copy(hs_hbm.at[idxs0], rows0, gsem0).wait()
        pltpu.make_async_copy(dst_hbm.at[pl.ds(0, CH)], idxd0, dsem0).wait()
        pltpu.sync_copy(rows0, acc_sh.at[idxd0], add=True)

        @pl.when(j0 + 2 < nch)
        def _():
            pltpu.async_copy(src_hbm.at[pl.ds(ebase + (j0 + 2) * CH, CH)],
                             idxs0, ssem0)
            pltpu.async_copy(dst_hbm.at[pl.ds(ebase + (j0 + 2) * CH, CH)],
                             idxd0, dsem0)
            pltpu.make_async_copy(src_hbm.at[pl.ds(0, CH)], idxs0, ssem0).wait()
            pltpu.async_copy(hs_hbm.at[idxs0], rows0, gsem0)

        pltpu.make_async_copy(hs_hbm.at[idxs1], rows1, gsem1).wait()
        pltpu.make_async_copy(dst_hbm.at[pl.ds(0, CH)], idxd1, dsem1).wait()
        pltpu.sync_copy(rows1, acc_sh.at[idxd1], add=True)
        return 0

    lax.fori_loop(0, nch // 2, body, 0)
    plsc.subcore_barrier()
    pltpu.sync_copy(acc_sh.at[pl.ds(base, RPT)],
                    out_hbm.at[pl.ds(c * NPAD + base, RPT)])


_sc_prop = functools.partial(
    pl.kernel,
    out_type=jax.ShapeDtypeStruct((NC * NPAD, 128), jnp.float32),
    mesh=_mesh,
    scratch_types=[
        pltpu.VMEM((CH,), jnp.int32),
        pltpu.VMEM((CH,), jnp.int32),
        pltpu.VMEM((CH,), jnp.int32),
        pltpu.VMEM((CH,), jnp.int32),
        pltpu.VMEM((CH, 128), jnp.float32),
        pltpu.VMEM((CH, 128), jnp.float32),
        pltpu.VMEM_SHARED((NPAD, 128), jnp.float32),
        pltpu.SemaphoreType.DMA,
        pltpu.SemaphoreType.DMA,
        pltpu.SemaphoreType.DMA,
        pltpu.SemaphoreType.DMA,
        pltpu.SemaphoreType.DMA,
        pltpu.SemaphoreType.DMA,
    ],
)(_prop_body)


def _dinv_from(degp_ref):
    deg = degp_ref[0][:, 0:1] + degp_ref[1][:, 0:1] + 1.0
    return lax.rsqrt(deg)


def _tc_in_body(x_ref, w_ref, degp_ref, o_ref):
    dinv = _dinv_from(degp_ref)
    o_ref[...] = jnp.dot(x_ref[...], w_ref[...],
                         preferred_element_type=jnp.float32) * dinv


def _tc_mid_body(acc_ref, hs_ref, degp_ref, b_ref, o_ref):
    dinv = _dinv_from(degp_ref)
    z = jnp.maximum(dinv * (acc_ref[0] + acc_ref[1] + hs_ref[...]) + b_ref[...],
                    0.0)
    o_ref[...] = dinv * z


def _tc_out_body(acc_ref, hs_ref, degp_ref, w_ref, b_ref, o_ref):
    dinv = _dinv_from(degp_ref)
    p = dinv * (acc_ref[0] + acc_ref[1] + hs_ref[...])
    o_ref[...] = jnp.dot(p, w_ref[...],
                         preferred_element_type=jnp.float32) + b_ref[...]


def _tc_in(xp, W1, degp):
    return pl.pallas_call(
        _tc_in_body,
        grid=(GRID,),
        in_specs=[
            pl.BlockSpec((RB, 256), lambda i: (i, 0)),
            pl.BlockSpec((256, 128), lambda i: (0, 0)),
            pl.BlockSpec((2, RB, DW), lambda i: (0, i, 0)),
        ],
        out_specs=pl.BlockSpec((RB, 128), lambda i: (i, 0)),
        out_shape=jax.ShapeDtypeStruct((NPAD, 128), jnp.float32),
    )(xp, W1, degp)


def _tc_mid(acc, hs, degp, b1):
    return pl.pallas_call(
        _tc_mid_body,
        grid=(GRID,),
        in_specs=[
            pl.BlockSpec((2, RB, 128), lambda i: (0, i, 0)),
            pl.BlockSpec((RB, 128), lambda i: (i, 0)),
            pl.BlockSpec((2, RB, DW), lambda i: (0, i, 0)),
            pl.BlockSpec((1, 128), lambda i: (0, 0)),
        ],
        out_specs=pl.BlockSpec((RB, 128), lambda i: (i, 0)),
        out_shape=jax.ShapeDtypeStruct((NPAD, 128), jnp.float32),
    )(acc, hs, degp, b1)


def _tc_out(acc, hs, degp, W2, b2):
    return pl.pallas_call(
        _tc_out_body,
        grid=(GRID,),
        in_specs=[
            pl.BlockSpec((2, RB, 128), lambda i: (0, i, 0)),
            pl.BlockSpec((RB, 128), lambda i: (i, 0)),
            pl.BlockSpec((2, RB, DW), lambda i: (0, i, 0)),
            pl.BlockSpec((128, 256), lambda i: (0, 0)),
            pl.BlockSpec((1, 256), lambda i: (0, 0)),
        ],
        out_specs=pl.BlockSpec((RB, 256), lambda i: (i, 0)),
        out_shape=jax.ShapeDtypeStruct((NPAD, 256), jnp.float32),
    )(acc, hs, degp, W2, b2)


def kernel(x, edge_index, W1, b1, W2, b2):
    n = x.shape[0]
    e = edge_index.shape[1]
    pad_idx = jnp.full((EPAD - e,), NPAD - 1, jnp.int32)
    srcf = jnp.concatenate([edge_index[0].astype(jnp.int32), pad_idx])
    dstf = jnp.concatenate([edge_index[1].astype(jnp.int32), pad_idx])
    xp = jnp.pad(x, ((0, NPAD - n), (0, 0)))

    ones_rows = jnp.ones((CH, DW), jnp.float32)
    zero_rows = jnp.zeros((RPT, 128), jnp.float32)

    degp = _sc_deg(dstf, ones_rows, zero_rows[:, :DW]).reshape(NC, NPAD, DW)
    hs1 = _tc_in(xp, W1, degp)
    acc1 = _sc_prop(hs1, srcf, dstf, zero_rows).reshape(NC, NPAD, 128)
    hs2 = _tc_mid(acc1, hs1, degp, b1.reshape(1, 128))
    acc2 = _sc_prop(hs2, srcf, dstf, zero_rows).reshape(NC, NPAD, 128)
    outp = _tc_out(acc2, hs2, degp, W2, b2.reshape(1, 256))
    return outp[:n]

# --- scband reference (transcript-rebuilt; emitter-appended) ---
"""Pipeline reference for scband-base-gnn-60988535603965 (READ-ONLY COPY).

The authoritative reference and input builder live on the scoring server;
editing this copy changes nothing except your own understanding.
"""

import jax, jax.numpy as jnp
import numpy as np

N_NODES = 10000
N_EDGES = 160000
D_IN = 256
D_HID = 128
D_OUT = 256


def setup_inputs(seed: int = 0) -> dict:
    key = jax.random.key(seed)
    k1, k2, k3, k4, k5, k6 = jax.random.split(key, 6)
    x = jax.random.normal(k1, (N_NODES, D_IN), dtype=jnp.float32)
    edge_index = jax.random.randint(k2, (2, N_EDGES), 0, N_NODES, dtype=jnp.int64)
    # Glorot-style init for GCN weights, zeros for bias (PyG default)
    W1 = jax.random.normal(k3, (D_IN, D_HID), dtype=jnp.float32) * (1.0 / np.sqrt(D_IN))
    b1 = jnp.zeros((D_HID,), dtype=jnp.float32)
    W2 = jax.random.normal(k4, (D_HID, D_OUT), dtype=jnp.float32) * (1.0 / np.sqrt(D_HID))
    b2 = jnpp_zeros = jnp.zeros((D_OUT,), dtype=jnp.float32)
    return {"x": x, "edge_index": edge_index, "W1": W1, "b1": b1, "W2": W2, "b2": b2}


def _gcn_conv(x, src, dst, W, b, num_nodes):
    # x' = D^{-1/2} (A + I) D^{-1/2} X W + b  (PyG GCNConv semantics)
    h = x @ W
    deg = jnp.zeros((num_nodes,), dtype=h.dtype).at[dst].add(1.0)
    dinv = jnp.where(deg > 0, deg ** -0.5, 0.0)
    norm = dinv[src] * dinv[dst]
    msg = h[src] * norm[:, None]
    out = jnp.zeros((num_nodes, h.shape[1]), dtype=h.dtype).at[dst].add(msg)
    return out + b


def reference(x, edge_index, W1, b1, W2, b2):
    num_nodes = x.shape[0]
    loop = jnp.arange(num_nodes, dtype=edge_index.dtype)
    src = jnp.concatenate([edge_index[0], loop])
    dst = jnp.concatenate([edge_index[1], loop])
    h = _gcn_conv(x, src, dst, W1, b1, num_nodes)
    h = jax.nn.relu(h)
    out = _gcn_conv(h, src, dst, W2, b2, num_nodes)
    return out

if __name__ == "__main__":
    import jax
    _d = setup_inputs()
    print(jax.jit(kernel)(*tuple(_d.values())))

</pallas_src>

<mosaic_0001>
#map = affine_map<(d0, d1) -> (0, 0)>
#map1 = affine_map<(d0, d1) -> (0)>
module attributes {stable_mosaic.version = 14 : i64} {
  func.func @_prop_body(%arg0: i32, %arg1: i32, %arg2: memref<10240x128xf32, #tpu.memory_space<hbm>>, %arg3: memref<163840xi32, #tpu.memory_space<hbm>>, %arg4: memref<163840xi32, #tpu.memory_space<hbm>>, %arg5: memref<640x128xf32, #tpu.memory_space<hbm>>, %arg6: memref<20480x128xf32, #tpu.memory_space<hbm>>, %arg7: memref<128xi32, #tpu.memory_space<vmem>>, %arg8: memref<128xi32, #tpu.memory_space<vmem>>, %arg9: memref<128xi32, #tpu.memory_space<vmem>>, %arg10: memref<128xi32, #tpu.memory_space<vmem>>, %arg11: memref<128x128xf32, #tpu.memory_space<vmem>>, %arg12: memref<128x128xf32, #tpu.memory_space<vmem>>, %arg13: memref<10240x128xf32, #tpu.memory_space<vmem_shared>>, %arg14: memref<!tpu.dma_semaphore, #tpu.memory_space<semaphore_mem>>, %arg15: memref<!tpu.dma_semaphore, #tpu.memory_space<semaphore_mem>>, %arg16: memref<!tpu.dma_semaphore, #tpu.memory_space<semaphore_mem>>, %arg17: memref<!tpu.dma_semaphore, #tpu.memory_space<semaphore_mem>>, %arg18: memref<!tpu.dma_semaphore, #tpu.memory_space<semaphore_mem>>, %arg19: memref<!tpu.dma_semaphore, #tpu.memory_space<semaphore_mem>>) attributes {dimension_semantics = [#tpu.dimension_semantics<core_parallel>, #tpu.dimension_semantics<subcore_parallel>], iteration_bounds = array<i64: 2, 16>, scalar_prefetch = 0 : i64, scratch_operands = 13 : i64, tpu.core_type = #tpu.core_type<sc_vector_subcore>, window_params = [{transform_indices = #map}, {transform_indices = #map1}, {transform_indices = #map1}, {transform_indices = #map}, {transform_indices = #map}]} {
    %mul3A = arith.constant 640 : i32
    %mul3A_0 = arith.muli %arg1, %mul3A : i32
    %eq3A = arith.constant 0 : i32
    %eq3A_1 = arith.cmpi eq, %arg0, %eq3A : i32
    %jit3A = arith.constant 60 : i32
    %jit3A_2 = arith.constant 20 : i32
    %select_n3A = arith.select %eq3A_1, %jit3A, %jit3A_2 : i32
    %eq3A_3 = arith.constant 0 : i32
    %eq3A_4 = arith.cmpi eq, %arg0, %eq3A_3 : i32
    %mul3A_5 = arith.constant 60 : i32
    %mul3A_6 = arith.muli %arg1, %mul3A_5 : i32
    %mul3A_7 = arith.constant 20 : i32
    %mul3A_8 = arith.muli %arg1, %mul3A_7 : i32
    %add3A = arith.constant 960 : i32
    %add3A_9 = arith.addi %add3A, %mul3A_8 : i32
    %select_n3A_10 = arith.select %eq3A_4, %mul3A_6, %add3A_9 : i32
    %mul3A_11 = arith.constant 128 : i32
    %mul3A_12 = arith.muli %select_n3A_10, %mul3A_11 : i32
    "tpu.region"() ({
      %run_scoped3A = tpu.sem_alloc : memref<!tpu.dma_semaphore, #tpu.memory_space<semaphore_mem>>
      %dma_start3A_55 = arith.constant 0 : i32
      %dma_start3A_56 = tpu.memref_slice %arg13[%mul3A_0, %dma_start3A_55] : memref<10240x128xf32, #tpu.memory_space<vmem_shared>> -> memref<640x128xf32, #tpu.memory_space<vmem_shared>>
      tpu.enqueue_dma source(%arg5 : memref<640x128xf32, #tpu.memory_space<hbm>>) target(%dma_start3A_56 : memref<640x128xf32, #tpu.memory_space<vmem_shared>>) target_semaphore(%run_scoped3A : memref<!tpu.dma_semaphore, #tpu.memory_space<semaphore_mem>>)
      %dma_wait3A_57 = arith.constant 0 : i32
      %dma_wait3A_58 = tpu.memref_slice %arg13[%mul3A_0, %dma_wait3A_57] : memref<10240x128xf32, #tpu.memory_space<vmem_shared>> -> memref<640x128xf32, #tpu.memory_space<vmem_shared>>
      tpu.wait_dma2 semaphore(%run_scoped3A : memref<!tpu.dma_semaphore, #tpu.memory_space<semaphore_mem>>) src(%arg5 : memref<640x128xf32, #tpu.memory_space<hbm>>) dst(%dma_wait3A_58 : memref<640x128xf32, #tpu.memory_space<vmem_shared>>)
      tpu.yield
    }) : () -> ()
    %dma_start3A = tpu.memref_slice %arg3[%mul3A_12] : memref<163840xi32, #tpu.memory_space<hbm>> -> memref<128xi32, #tpu.memory_space<hbm>>
    %dma_start3A_13 = tpu.memref_slice %arg3[%mul3A_12] : memref<163840xi32, #tpu.memory_space<hbm>> -> memref<128xi32, #tpu.memory_space<hbm>>
    tpu.enqueue_dma source(%dma_start3A_13 : memref<128xi32, #tpu.memory_space<hbm>>) target(%arg7 : memref<128xi32, #tpu.memory_space<vmem>>) target_semaphore(%arg14 : memref<!tpu.dma_semaphore, #tpu.memory_space<semaphore_mem>>)
    %dma_start3A_14 = tpu.memref_slice %arg4[%mul3A_12] : memref<163840xi32, #tpu.memory_space<hbm>> -> memref<128xi32, #tpu.memory_space<hbm>>
    %dma_start3A_15 = tpu.memref_slice %arg4[%mul3A_12] : memref<163840xi32, #tpu.memory_space<hbm>> -> memref<128xi32, #tpu.memory_space<hbm>>
    tpu.enqueue_dma source(%dma_start3A_15 : memref<128xi32, #tpu.memory_space<hbm>>) target(%arg9 : memref<128xi32, #tpu.memory_space<vmem>>) target_semaphore(%arg16 : memref<!tpu.dma_semaphore, #tpu.memory_space<semaphore_mem>>)
    %dma_wait3A = arith.constant 0 : i32
    %dma_wait3A_16 = tpu.memref_slice %arg3[%dma_wait3A] : memref<163840xi32, #tpu.memory_space<hbm>> -> memref<128xi32, #tpu.memory_space<hbm>>
    %dma_wait3A_17 = arith.constant 0 : i32
    %dma_wait3A_18 = tpu.memref_slice %arg3[%dma_wait3A_17] : memref<163840xi32, #tpu.memory_space<hbm>> -> memref<128xi32, #tpu.memory_space<hbm>>
    tpu.wait_dma2 semaphore(%arg14 : memref<!tpu.dma_semaphore, #tpu.memory_space<semaphore_mem>>) src(%dma_wait3A_18 : memref<128xi32, #tpu.memory_space<hbm>>) dst(%arg7 : memref<128xi32, #tpu.memory_space<vmem>>)
    %dma_start3A_19 = arith.constant 0 : i32
    %dma_start3A_20 = arith.constant 0 : i32
    %dma_start3A_21 = tpu.memref_slice %arg2[%dma_start3A_19, %dma_start3A_20] : memref<10240x128xf32, #tpu.memory_space<hbm>> -> memref<10240x128xf32, #tpu.memory_space<hbm>>
    tpu.enqueue_indirect_dma source(%dma_start3A_21 : memref<10240x128xf32, #tpu.memory_space<hbm>>) target(%arg11 : memref<128x128xf32, #tpu.memory_space<vmem>>) offsets(%arg7 : memref<128xi32, #tpu.memory_space<vmem>>) semaphore(%arg18 : memref<!tpu.dma_semaphore, #tpu.memory_space<semaphore_mem>>)
    %barrier3A = arith.constant 0 : index
    tpu.barrier barrier_id(%barrier3A)
    %jit3A_22 = arith.constant 2 : i32
    %div3A = arith.divsi %select_n3A, %jit3A_22 : i32
    %sign3A = arith.constant 0 : i32
    %sign3A_23 = arith.cmpi sgt, %select_n3A, %sign3A : i32
    %sign3A_24 = arith.extui %sign3A_23 : i1 to i32
    %sign3A_25 = arith.constant 0 : i32
    %sign3A_26 = arith.cmpi slt, %select_n3A, %sign3A_25 : i32
    %sign3A_27 = arith.extui %sign3A_26 : i1 to i32
    %sign3A_28 = arith.subi %sign3A_24, %sign3A_27 : i32
    %sign3A_29 = arith.constant 0 : i32
    %sign3A_30 = arith.cmpi sgt, %jit3A_22, %sign3A_29 : i32
    %sign3A_31 = arith.extui %sign3A_30 : i1 to i32
    %sign3A_32 = arith.constant 0 : i32
    %sign3A_33 = arith.cmpi slt, %jit3A_22, %sign3A_32 : i32
    %sign3A_34 = arith.extui %sign3A_33 : i1 to i32
    %sign3A_35 = arith.subi %sign3A_31, %sign3A_34 : i32
    %ne3A = arith.cmpi ne, %sign3A_28, %sign3A_35 : i32
    %rem3A = arith.remsi %select_n3A, %jit3A_22 : i32
    %ne3A_36 = arith.constant 0 : i32
    %ne3A_37 = arith.cmpi ne, %rem3A, %ne3A_36 : i32
    %and3A = arith.andi %ne3A, %ne3A_37 : i1
    %sub3A = arith.constant 1 : i32
    %sub3A_38 = arith.subi %div3A, %sub3A : i32
    %select_n3A_39 = arith.select %and3A, %sub3A_38, %div3A : i32
    %while3A = arith.constant 0 : i32
    %while3A_40 = arith.constant 0 : i32
    %while3A_41 = arith.subi %select_n3A_39, %while3A : i32
    %while3A_42 = arith.addi %while3A, %while3A_41 : i32
    %while3A_43 = arith.constant 1 : i32
    %while3A_44 = arith.divsi %while3A_41, %while3A_43 : i32
    %while3A_45 = arith.muli %while3A_44, %while3A_43 : i32
    %while3A_46 = arith.addi %while3A, %while3A_45 : i32
    %while3A_47 = arith.constant 1 : i32
    %while3A_48 = scf.for %while3A_55 = %while3A to %while3A_46 step %while3A_47 iter_args(%while3A_56 = %while3A_40) -> (i32)  : i32 {
      %mul3A_57 = arith.constant 2 : i32
      %mul3A_58 = arith.muli %mul3A_57, %while3A_55 : i32
      %add3A_59 = arith.constant 1 : i32
      %add3A_60 = arith.addi %mul3A_58, %add3A_59 : i32
      %mul3A_61 = arith.constant 128 : i32
      %mul3A_62 = arith.muli %add3A_60, %mul3A_61 : i32
      %add3A_63 = arith.addi %mul3A_12, %mul3A_62 : i32
      %dma_start3A_64 = tpu.memref_slice %arg3[%add3A_63] : memref<163840xi32, #tpu.memory_space<hbm>> -> memref<128xi32, #tpu.memory_space<hbm>>
      %dma_start3A_65 = tpu.memref_slice %arg3[%add3A_63] : memref<163840xi32, #tpu.memory_space<hbm>> -> memref<128xi32, #tpu.memory_space<hbm>>
      tpu.enqueue_dma source(%dma_start3A_65 : memref<128xi32, #tpu.memory_space<hbm>>) target(%arg8 : memref<128xi32, #tpu.memory_space<vmem>>) target_semaphore(%arg15 : memref<!tpu.dma_semaphore, #tpu.memory_space<semaphore_mem>>)
      %add3A_66 = arith.constant 1 : i32
      %add3A_67 = arith.addi %mul3A_58, %add3A_66 : i32
      %mul3A_68 = arith.constant 128 : i32
      %mul3A_69 = arith.muli %add3A_67, %mul3A_68 : i32
      %add3A_70 = arith.addi %mul3A_12, %mul3A_69 : i32
      %dma_start3A_71 = tpu.memref_slice %arg4[%add3A_70] : memref<163840xi32, #tpu.memory_space<hbm>> -> memref<128xi32, #tpu.memory_space<hbm>>
      %dma_start3A_72 = tpu.memref_slice %arg4[%add3A_70] : memref<163840xi32, #tpu.memory_space<hbm>> -> memref<128xi32, #tpu.memory_space<hbm>>
      tpu.enqueue_dma source(%dma_start3A_72 : memref<128xi32, #tpu.memory_space<hbm>>) target(%arg10 : memref<128xi32, #tpu.memory_space<vmem>>) target_semaphore(%arg17 : memref<!tpu.dma_semaphore, #tpu.memory_space<semaphore_mem>>)
      %dma_wait3A_73 = arith.constant 0 : i32
      %dma_wait3A_74 = tpu.memref_slice %arg3[%dma_wait3A_73] : memref<163840xi32, #tpu.memory_space<hbm>> -> memref<128xi32, #tpu.memory_space<hbm>>
      %dma_wait3A_75 = arith.constant 0 : i32
      %dma_wait3A_76 = tpu.memref_slice %arg3[%dma_wait3A_75] : memref<163840xi32, #tpu.memory_space<hbm>> -> memref<128xi32, #tpu.memory_space<hbm>>
      tpu.wait_dma2 semaphore(%arg15 : memref<!tpu.dma_semaphore, #tpu.memory_space<semaphore_mem>>) src(%dma_wait3A_76 : memref<128xi32, #tpu.memory_space<hbm>>) dst(%arg8 : memref<128xi32, #tpu.memory_space<vmem>>)
      %dma_start3A_77 = arith.constant 0 : i32
      %dma_start3A_78 = arith.constant 0 : i32
      %dma_start3A_79 = tpu.memref_slice %arg2[%dma_start3A_77, %dma_start3A_78] : memref<10240x128xf32, #tpu.memory_space<hbm>> -> memref<10240x128xf32, #tpu.memory_space<hbm>>
      tpu.enqueue_indirect_dma source(%dma_start3A_79 : memref<10240x128xf32, #tpu.memory_space<hbm>>) target(%arg12 : memref<128x128xf32, #tpu.memory_space<vmem>>) offsets(%arg8 : memref<128xi32, #tpu.memory_space<vmem>>) semaphore(%arg19 : memref<!tpu.dma_semaphore, #tpu.memory_space<semaphore_mem>>)
      %dma_wait3A_80 = arith.constant 0 : i32
      %dma_wait3A_81 = arith.constant 0 : i32
      %dma_wait3A_82 = tpu.memref_slice %arg2[%dma_wait3A_80, %dma_wait3A_81] : memref<10240x128xf32, #tpu.memory_space<hbm>> -> memref<10240x128xf32, #tpu.memory_space<hbm>>
      tpu.wait_indirect_dma semaphore(%arg18 : memref<!tpu.dma_semaphore, #tpu.memory_space<semaphore_mem>>) src(%dma_wait3A_82 : memref<10240x128xf32, #tpu.memory_space<hbm>>) dst(%arg11 : memref<128x128xf32, #tpu.memory_space<vmem>>)
      %dma_wait3A_83 = arith.constant 0 : i32
      %dma_wait3A_84 = tpu.memref_slice %arg4[%dma_wait3A_83] : memref<163840xi32, #tpu.memory_space<hbm>> -> memref<128xi32, #tpu.memory_space<hbm>>
      %dma_wait3A_85 = arith.constant 0 : i32
      %dma_wait3A_86 = tpu.memref_slice %arg4[%dma_wait3A_85] : memref<163840xi32, #tpu.memory_space<hbm>> -> memref<128xi32, #tpu.memory_space<hbm>>
      tpu.wait_dma2 semaphore(%arg16 : memref<!tpu.dma_semaphore, #tpu.memory_space<semaphore_mem>>) src(%dma_wait3A_86 : memref<128xi32, #tpu.memory_space<hbm>>) dst(%arg9 : memref<128xi32, #tpu.memory_space<vmem>>)
      "tpu.region"() ({
        %run_scoped3A = tpu.sem_alloc : memref<!tpu.dma_semaphore, #tpu.memory_space<semaphore_mem>>
        %dma_start3A_98 = arith.constant 0 : i32
        %dma_start3A_99 = arith.constant 0 : i32
        %dma_start3A_100 = tpu.memref_slice %arg13[%dma_start3A_98, %dma_start3A_99] : memref<10240x128xf32, #tpu.memory_space<vmem_shared>> -> memref<10240x128xf32, #tpu.memory_space<vmem_shared>>
        tpu.enqueue_indirect_dma source(%arg11 : memref<128x128xf32, #tpu.memory_space<vmem>>) target(%dma_start3A_100 : memref<10240x128xf32, #tpu.memory_space<vmem_shared>>) offsets(%arg9 : memref<128xi32, #tpu.memory_space<vmem>>) semaphore(%run_scoped3A : memref<!tpu.dma_semaphore, #tpu.memory_space<semaphore_mem>>) {add = true}
        %dma_wait3A_101 = arith.constant 0 : i32
        %dma_wait3A_102 = arith.constant 0 : i32
        %dma_wait3A_103 = tpu.memref_slice %arg13[%dma_wait3A_101, %dma_wait3A_102] : memref<10240x128xf32, #tpu.memory_space<vmem_shared>> -> memref<10240x128xf32, #tpu.memory_space<vmem_shared>>
        tpu.wait_indirect_dma semaphore(%run_scoped3A : memref<!tpu.dma_semaphore, #tpu.memory_space<semaphore_mem>>) src(%arg11 : memref<128x128xf32, #tpu.memory_space<vmem>>) dst(%dma_wait3A_103 : memref<10240x128xf32, #tpu.memory_space<vmem_shared>>)
        tpu.yield
      }) : () -> ()
      %add3A_87 = arith.constant 2 : i32
      %add3A_88 = arith.addi %mul3A_58, %add3A_87 : i32
      %lt3A = arith.cmpi slt, %add3A_88, %select_n3A : i32
      %convert_element_type3A = arith.extui %lt3A : i1 to i32
      %cond3A = arith.constant 0 : i32
      %cond3A_89 = arith.cmpi ne, %convert_element_type3A, %cond3A : i32
      scf.if %cond3A_89 {
        %add3A_98 = arith.constant 2 : i32
        %add3A_99 = arith.addi %mul3A_58, %add3A_98 : i32
        %mul3A_100 = arith.constant 128 : i32
        %mul3A_101 = arith.muli %add3A_99, %mul3A_100 : i32
        %add3A_102 = arith.addi %mul3A_12, %mul3A_101 : i32
        %dma_start3A_103 = tpu.memref_slice %arg3[%add3A_102] : memref<163840xi32, #tpu.memory_space<hbm>> -> memref<128xi32, #tpu.memory_space<hbm>>
        %dma_start3A_104 = tpu.memref_slice %arg3[%add3A_102] : memref<163840xi32, #tpu.memory_space<hbm>> -> memref<128xi32, #tpu.memory_space<hbm>>
        tpu.enqueue_dma source(%dma_start3A_104 : memref<128xi32, #tpu.memory_space<hbm>>) target(%arg7 : memref<128xi32, #tpu.memory_space<vmem>>) target_semaphore(%arg14 : memref<!tpu.dma_semaphore, #tpu.memory_space<semaphore_mem>>)
        %add3A_105 = arith.constant 2 : i32
        %add3A_106 = arith.addi %mul3A_58, %add3A_105 : i32
        %mul3A_107 = arith.constant 128 : i32
        %mul3A_108 = arith.muli %add3A_106, %mul3A_107 : i32
        %add3A_109 = arith.addi %mul3A_12, %mul3A_108 : i32
        %dma_start3A_110 = tpu.memref_slice %arg4[%add3A_109] : memref<163840xi32, #tpu.memory_space<hbm>> -> memref<128xi32, #tpu.memory_space<hbm>>
        %dma_start3A_111 = tpu.memref_slice %arg4[%add3A_109] : memref<163840xi32, #tpu.memory_space<hbm>> -> memref<128xi32, #tpu.memory_space<hbm>>
        tpu.enqueue_dma source(%dma_start3A_111 : memref<128xi32, #tpu.memory_space<hbm>>) target(%arg9 : memref<128xi32, #tpu.memory_space<vmem>>) target_semaphore(%arg16 : memref<!tpu.dma_semaphore, #tpu.memory_space<semaphore_mem>>)
        %dma_wait3A_112 = arith.constant 0 : i32
        %dma_wait3A_113 = tpu.memref_slice %arg3[%dma_wait3A_112] : memref<163840xi32, #tpu.memory_space<hbm>> -> memref<128xi32, #tpu.memory_space<hbm>>
        %dma_wait3A_114 = arith.constant 0 : i32
        %dma_wait3A_115 = tpu.memref_slice %arg3[%dma_wait3A_114] : memref<163840xi32, #tpu.memory_space<hbm>> -> memref<128xi32, #tpu.memory_space<hbm>>
        tpu.wait_dma2 semaphore(%arg14 : memref<!tpu.dma_semaphore, #tpu.memory_space<semaphore_mem>>) src(%dma_wait3A_115 : memref<128xi32, #tpu.memory_space<hbm>>) dst(%arg7 : memref<128xi32, #tpu.memory_space<vmem>>)
        %dma_start3A_116 = arith.constant 0 : i32
        %dma_start3A_117 = arith.constant 0 : i32
        %dma_start3A_118 = tpu.memref_slice %arg2[%dma_start3A_116, %dma_start3A_117] : memref<10240x128xf32, #tpu.memory_space<hbm>> -> memref<10240x128xf32, #tpu.memory_space<hbm>>
        tpu.enqueue_indirect_dma source(%dma_start3A_118 : memref<10240x128xf32, #tpu.memory_space<hbm>>) target(%arg11 : memref<128x128xf32, #tpu.memory_space<vmem>>) offsets(%arg7 : memref<128xi32, #tpu.memory_space<vmem>>) semaphore(%arg18 : memref<!tpu.dma_semaphore, #tpu.memory_space<semaphore_mem>>)
      } else {
      }
      %dma_wait3A_90 = arith.constant 0 : i32
      %dma_wait3A_91 = arith.constant 0 : i32
      %dma_wait3A_92 = tpu.memref_slice %arg2[%dma_wait3A_90, %dma_wait3A_91] : memref<10240x128xf32, #tpu.memory_space<hbm>> -> memref<10240x128xf32, #tpu.memory_space<hbm>>
      tpu.wait_indirect_dma semaphore(%arg19 : memref<!tpu.dma_semaphore, #tpu.memory_space<semaphore_mem>>) src(%dma_wait3A_92 : memref<10240x128xf32, #tpu.memory_space<hbm>>) dst(%arg12 : memref<128x128xf32, #tpu.memory_space<vmem>>)
      %dma_wait3A_93 = arith.constant 0 : i32
      %dma_wait3A_94 = tpu.memref_slice %arg4[%dma_wait3A_93] : memref<163840xi32, #tpu.memory_space<hbm>> -> memref<128xi32, #tpu.memory_space<hbm>>
      %dma_wait3A_95 = arith.constant 0 : i32
      %dma_wait3A_96 = tpu.memref_slice %arg4[%dma_wait3A_95] : memref<163840xi32, #tpu.memory_space<hbm>> -> memref<128xi32, #tpu.memory_space<hbm>>
      tpu.wait_dma2 semaphore(%arg17 : memref<!tpu.dma_semaphore, #tpu.memory_space<semaphore_mem>>) src(%dma_wait3A_96 : memref<128xi32, #tpu.memory_space<hbm>>) dst(%arg10 : memref<128xi32, #tpu.memory_space<vmem>>)
      "tpu.region"() ({
        %run_scoped3A = tpu.sem_alloc : memref<!tpu.dma_semaphore, #tpu.memory_space<semaphore_mem>>
        %dma_start3A_98 = arith.constant 0 : i32
        %dma_start3A_99 = arith.constant 0 : i32
        %dma_start3A_100 = tpu.memref_slice %arg13[%dma_start3A_98, %dma_start3A_99] : memref<10240x128xf32, #tpu.memory_space<vmem_shared>> -> memref<10240x128xf32, #tpu.memory_space<vmem_shared>>
        tpu.enqueue_indirect_dma source(%arg12 : memref<128x128xf32, #tpu.memory_space<vmem>>) target(%dma_start3A_100 : memref<10240x128xf32, #tpu.memory_space<vmem_shared>>) offsets(%arg10 : memref<128xi32, #tpu.memory_space<vmem>>) semaphore(%run_scoped3A : memref<!tpu.dma_semaphore, #tpu.memory_space<semaphore_mem>>) {add = true}
        %dma_wait3A_101 = arith.constant 0 : i32
        %dma_wait3A_102 = arith.constant 0 : i32
        %dma_wait3A_103 = tpu.memref_slice %arg13[%dma_wait3A_101, %dma_wait3A_102] : memref<10240x128xf32, #tpu.memory_space<vmem_shared>> -> memref<10240x128xf32, #tpu.memory_space<vmem_shared>>
        tpu.wait_indirect_dma semaphore(%run_scoped3A : memref<!tpu.dma_semaphore, #tpu.memory_space<semaphore_mem>>) src(%arg12 : memref<128x128xf32, #tpu.memory_space<vmem>>) dst(%dma_wait3A_103 : memref<10240x128xf32, #tpu.memory_space<vmem_shared>>)
        tpu.yield
      }) : () -> ()
      %while3A_97 = arith.constant 0 : i32
      scf.yield %while3A_97 : i32
    }
    %while3A_49 = arith.constant 1 : i32
    %while3A_50 = scf.for %while3A_55 = %while3A_46 to %while3A_42 step %while3A_49 iter_args(%while3A_56 = %while3A_48) -> (i32)  : i32 {
      %mul3A_57 = arith.constant 2 : i32
      %mul3A_58 = arith.muli %mul3A_57, %while3A_55 : i32
      %add3A_59 = arith.constant 1 : i32
      %add3A_60 = arith.addi %mul3A_58, %add3A_59 : i32
      %mul3A_61 = arith.constant 128 : i32
      %mul3A_62 = arith.muli %add3A_60, %mul3A_61 : i32
      %add3A_63 = arith.addi %mul3A_12, %mul3A_62 : i32
      %dma_start3A_64 = tpu.memref_slice %arg3[%add3A_63] : memref<163840xi32, #tpu.memory_space<hbm>> -> memref<128xi32, #tpu.memory_space<hbm>>
      %dma_start3A_65 = tpu.memref_slice %arg3[%add3A_63] : memref<163840xi32, #tpu.memory_space<hbm>> -> memref<128xi32, #tpu.memory_space<hbm>>
      tpu.enqueue_dma source(%dma_start3A_65 : memref<128xi32, #tpu.memory_space<hbm>>) target(%arg8 : memref<128xi32, #tpu.memory_space<vmem>>) target_semaphore(%arg15 : memref<!tpu.dma_semaphore, #tpu.memory_space<semaphore_mem>>)
      %add3A_66 = arith.constant 1 : i32
      %add3A_67 = arith.addi %mul3A_58, %add3A_66 : i32
      %mul3A_68 = arith.constant 128 : i32
      %mul3A_69 = arith.muli %add3A_67, %mul3A_68 : i32
      %add3A_70 = arith.addi %mul3A_12, %mul3A_69 : i32
      %dma_start3A_71 = tpu.memref_slice %arg4[%add3A_70] : memref<163840xi32, #tpu.memory_space<hbm>> -> memref<128xi32, #tpu.memory_space<hbm>>
      %dma_start3A_72 = tpu.memref_slice %arg4[%add3A_70] : memref<163840xi32, #tpu.memory_space<hbm>> -> memref<128xi32, #tpu.memory_space<hbm>>
      tpu.enqueue_dma source(%dma_start3A_72 : memref<128xi32, #tpu.memory_space<hbm>>) target(%arg10 : memref<128xi32, #tpu.memory_space<vmem>>) target_semaphore(%arg17 : memref<!tpu.dma_semaphore, #tpu.memory_space<semaphore_mem>>)
      %dma_wait3A_73 = arith.constant 0 : i32
      %dma_wait3A_74 = tpu.memref_slice %arg3[%dma_wait3A_73] : memref<163840xi32, #tpu.memory_space<hbm>> -> memref<128xi32, #tpu.memory_space<hbm>>
      %dma_wait3A_75 = arith.constant 0 : i32
      %dma_wait3A_76 = tpu.memref_slice %arg3[%dma_wait3A_75] : memref<163840xi32, #tpu.memory_space<hbm>> -> memref<128xi32, #tpu.memory_space<hbm>>
      tpu.wait_dma2 semaphore(%arg15 : memref<!tpu.dma_semaphore, #tpu.memory_space<semaphore_mem>>) src(%dma_wait3A_76 : memref<128xi32, #tpu.memory_space<hbm>>) dst(%arg8 : memref<128xi32, #tpu.memory_space<vmem>>)
      %dma_start3A_77 = arith.constant 0 : i32
      %dma_start3A_78 = arith.constant 0 : i32
      %dma_start3A_79 = tpu.memref_slice %arg2[%dma_start3A_77, %dma_start3A_78] : memref<10240x128xf32, #tpu.memory_space<hbm>> -> memref<10240x128xf32, #tpu.memory_space<hbm>>
      tpu.enqueue_indirect_dma source(%dma_start3A_79 : memref<10240x128xf32, #tpu.memory_space<hbm>>) target(%arg12 : memref<128x128xf32, #tpu.memory_space<vmem>>) offsets(%arg8 : memref<128xi32, #tpu.memory_space<vmem>>) semaphore(%arg19 : memref<!tpu.dma_semaphore, #tpu.memory_space<semaphore_mem>>)
      %dma_wait3A_80 = arith.constant 0 : i32
      %dma_wait3A_81 = arith.constant 0 : i32
      %dma_wait3A_82 = tpu.memref_slice %arg2[%dma_wait3A_80, %dma_wait3A_81] : memref<10240x128xf32, #tpu.memory_space<hbm>> -> memref<10240x128xf32, #tpu.memory_space<hbm>>
      tpu.wait_indirect_dma semaphore(%arg18 : memref<!tpu.dma_semaphore, #tpu.memory_space<semaphore_mem>>) src(%dma_wait3A_82 : memref<10240x128xf32, #tpu.memory_space<hbm>>) dst(%arg11 : memref<128x128xf32, #tpu.memory_space<vmem>>)
      %dma_wait3A_83 = arith.constant 0 : i32
      %dma_wait3A_84 = tpu.memref_slice %arg4[%dma_wait3A_83] : memref<163840xi32, #tpu.memory_space<hbm>> -> memref<128xi32, #tpu.memory_space<hbm>>
      %dma_wait3A_85 = arith.constant 0 : i32
      %dma_wait3A_86 = tpu.memref_slice %arg4[%dma_wait3A_85] : memref<163840xi32, #tpu.memory_space<hbm>> -> memref<128xi32, #tpu.memory_space<hbm>>
      tpu.wait_dma2 semaphore(%arg16 : memref<!tpu.dma_semaphore, #tpu.memory_space<semaphore_mem>>) src(%dma_wait3A_86 : memref<128xi32, #tpu.memory_space<hbm>>) dst(%arg9 : memref<128xi32, #tpu.memory_space<vmem>>)
      "tpu.region"() ({
        %run_scoped3A = tpu.sem_alloc : memref<!tpu.dma_semaphore, #tpu.memory_space<semaphore_mem>>
        %dma_start3A_98 = arith.constant 0 : i32
        %dma_start3A_99 = arith.constant 0 : i32
        %dma_start3A_100 = tpu.memref_slice %arg13[%dma_start3A_98, %dma_start3A_99] : memref<10240x128xf32, #tpu.memory_space<vmem_shared>> -> memref<10240x128xf32, #tpu.memory_space<vmem_shared>>
        tpu.enqueue_indirect_dma source(%arg11 : memref<128x128xf32, #tpu.memory_space<vmem>>) target(%dma_start3A_100 : memref<10240x128xf32, #tpu.memory_space<vmem_shared>>) offsets(%arg9 : memref<128xi32, #tpu.memory_space<vmem>>) semaphore(%run_scoped3A : memref<!tpu.dma_semaphore, #tpu.memory_space<semaphore_mem>>) {add = true}
        %dma_wait3A_101 = arith.constant 0 : i32
        %dma_wait3A_102 = arith.constant 0 : i32
        %dma_wait3A_103 = tpu.memref_slice %arg13[%dma_wait3A_101, %dma_wait3A_102] : memref<10240x128xf32, #tpu.memory_space<vmem_shared>> -> memref<10240x128xf32, #tpu.memory_space<vmem_shared>>
        tpu.wait_indirect_dma semaphore(%run_scoped3A : memref<!tpu.dma_semaphore, #tpu.memory_space<semaphore_mem>>) src(%arg11 : memref<128x128xf32, #tpu.memory_space<vmem>>) dst(%dma_wait3A_103 : memref<10240x128xf32, #tpu.memory_space<vmem_shared>>)
        tpu.yield
      }) : () -> ()
      %add3A_87 = arith.constant 2 : i32
      %add3A_88 = arith.addi %mul3A_58, %add3A_87 : i32
      %lt3A = arith.cmpi slt, %add3A_88, %select_n3A : i32
      %convert_element_type3A = arith.extui %lt3A : i1 to i32
      %cond3A = arith.constant 0 : i32
      %cond3A_89 = arith.cmpi ne, %convert_element_type3A, %cond3A : i32
      scf.if %cond3A_89 {
        %add3A_98 = arith.constant 2 : i32
        %add3A_99 = arith.addi %mul3A_58, %add3A_98 : i32
        %mul3A_100 = arith.constant 128 : i32
        %mul3A_101 = arith.muli %add3A_99, %mul3A_100 : i32
        %add3A_102 = arith.addi %mul3A_12, %mul3A_101 : i32
        %dma_start3A_103 = tpu.memref_slice %arg3[%add3A_102] : memref<163840xi32, #tpu.memory_space<hbm>> -> memref<128xi32, #tpu.memory_space<hbm>>
        %dma_start3A_104 = tpu.memref_slice %arg3[%add3A_102] : memref<163840xi32, #tpu.memory_space<hbm>> -> memref<128xi32, #tpu.memory_space<hbm>>
        tpu.enqueue_dma source(%dma_start3A_104 : memref<128xi32, #tpu.memory_space<hbm>>) target(%arg7 : memref<128xi32, #tpu.memory_space<vmem>>) target_semaphore(%arg14 : memref<!tpu.dma_semaphore, #tpu.memory_space<semaphore_mem>>)
        %add3A_105 = arith.constant 2 : i32
        %add3A_106 = arith.addi %mul3A_58, %add3A_105 : i32
        %mul3A_107 = arith.constant 128 : i32
        %mul3A_108 = arith.muli %add3A_106, %mul3A_107 : i32
        %add3A_109 = arith.addi %mul3A_12, %mul3A_108 : i32
        %dma_start3A_110 = tpu.memref_slice %arg4[%add3A_109] : memref<163840xi32, #tpu.memory_space<hbm>> -> memref<128xi32, #tpu.memory_space<hbm>>
        %dma_start3A_111 = tpu.memref_slice %arg4[%add3A_109] : memref<163840xi32, #tpu.memory_space<hbm>> -> memref<128xi32, #tpu.memory_space<hbm>>
        tpu.enqueue_dma source(%dma_start3A_111 : memref<128xi32, #tpu.memory_space<hbm>>) target(%arg9 : memref<128xi32, #tpu.memory_space<vmem>>) target_semaphore(%arg16 : memref<!tpu.dma_semaphore, #tpu.memory_space<semaphore_mem>>)
        %dma_wait3A_112 = arith.constant 0 : i32
        %dma_wait3A_113 = tpu.memref_slice %arg3[%dma_wait3A_112] : memref<163840xi32, #tpu.memory_space<hbm>> -> memref<128xi32, #tpu.memory_space<hbm>>
        %dma_wait3A_114 = arith.constant 0 : i32
        %dma_wait3A_115 = tpu.memref_slice %arg3[%dma_wait3A_114] : memref<163840xi32, #tpu.memory_space<hbm>> -> memref<128xi32, #tpu.memory_space<hbm>>
        tpu.wait_dma2 semaphore(%arg14 : memref<!tpu.dma_semaphore, #tpu.memory_space<semaphore_mem>>) src(%dma_wait3A_115 : memref<128xi32, #tpu.memory_space<hbm>>) dst(%arg7 : memref<128xi32, #tpu.memory_space<vmem>>)
        %dma_start3A_116 = arith.constant 0 : i32
        %dma_start3A_117 = arith.constant 0 : i32
        %dma_start3A_118 = tpu.memref_slice %arg2[%dma_start3A_116, %dma_start3A_117] : memref<10240x128xf32, #tpu.memory_space<hbm>> -> memref<10240x128xf32, #tpu.memory_space<hbm>>
        tpu.enqueue_indirect_dma source(%dma_start3A_118 : memref<10240x128xf32, #tpu.memory_space<hbm>>) target(%arg11 : memref<128x128xf32, #tpu.memory_space<vmem>>) offsets(%arg7 : memref<128xi32, #tpu.memory_space<vmem>>) semaphore(%arg18 : memref<!tpu.dma_semaphore, #tpu.memory_space<semaphore_mem>>)
      } else {
      }
      %dma_wait3A_90 = arith.constant 0 : i32
      %dma_wait3A_91 = arith.constant 0 : i32
      %dma_wait3A_92 = tpu.memref_slice %arg2[%dma_wait3A_90, %dma_wait3A_91] : memref<10240x128xf32, #tpu.memory_space<hbm>> -> memref<10240x128xf32, #tpu.memory_space<hbm>>
      tpu.wait_indirect_dma semaphore(%arg19 : memref<!tpu.dma_semaphore, #tpu.memory_space<semaphore_mem>>) src(%dma_wait3A_92 : memref<10240x128xf32, #tpu.memory_space<hbm>>) dst(%arg12 : memref<128x128xf32, #tpu.memory_space<vmem>>)
      %dma_wait3A_93 = arith.constant 0 : i32
      %dma_wait3A_94 = tpu.memref_slice %arg4[%dma_wait3A_93] : memref<163840xi32, #tpu.memory_space<hbm>> -> memref<128xi32, #tpu.memory_space<hbm>>
      %dma_wait3A_95 = arith.constant 0 : i32
      %dma_wait3A_96 = tpu.memref_slice %arg4[%dma_wait3A_95] : memref<163840xi32, #tpu.memory_space<hbm>> -> memref<128xi32, #tpu.memory_space<hbm>>
      tpu.wait_dma2 semaphore(%arg17 : memref<!tpu.dma_semaphore, #tpu.memory_space<semaphore_mem>>) src(%dma_wait3A_96 : memref<128xi32, #tpu.memory_space<hbm>>) dst(%arg10 : memref<128xi32, #tpu.memory_space<vmem>>)
      "tpu.region"() ({
        %run_scoped3A = tpu.sem_alloc : memref<!tpu.dma_semaphore, #tpu.memory_space<semaphore_mem>>
        %dma_start3A_98 = arith.constant 0 : i32
        %dma_start3A_99 = arith.constant 0 : i32
        %dma_start3A_100 = tpu.memref_slice %arg13[%dma_start3A_98, %dma_start3A_99] : memref<10240x128xf32, #tpu.memory_space<vmem_shared>> -> memref<10240x128xf32, #tpu.memory_space<vmem_shared>>
        tpu.enqueue_indirect_dma source(%arg12 : memref<128x128xf32, #tpu.memory_space<vmem>>) target(%dma_start3A_100 : memref<10240x128xf32, #tpu.memory_space<vmem_shared>>) offsets(%arg10 : memref<128xi32, #tpu.memory_space<vmem>>) semaphore(%run_scoped3A : memref<!tpu.dma_semaphore, #tpu.memory_space<semaphore_mem>>) {add = true}
        %dma_wait3A_101 = arith.constant 0 : i32
        %dma_wait3A_102 = arith.constant 0 : i32
        %dma_wait3A_103 = tpu.memref_slice %arg13[%dma_wait3A_101, %dma_wait3A_102] : memref<10240x128xf32, #tpu.memory_space<vmem_shared>> -> memref<10240x128xf32, #tpu.memory_space<vmem_shared>>
        tpu.wait_indirect_dma semaphore(%run_scoped3A : memref<!tpu.dma_semaphore, #tpu.memory_space<semaphore_mem>>) src(%arg12 : memref<128x128xf32, #tpu.memory_space<vmem>>) dst(%dma_wait3A_103 : memref<10240x128xf32, #tpu.memory_space<vmem_shared>>)
        tpu.yield
      }) : () -> ()
      %while3A_97 = arith.constant 0 : i32
      scf.yield %while3A_97 : i32
    }
    %barrier3A_51 = arith.constant 0 : index
    tpu.barrier barrier_id(%barrier3A_51)
    %mul3A_52 = arith.constant 10240 : i32
    %mul3A_53 = arith.muli %arg0, %mul3A_52 : i32
    %add3A_54 = arith.addi %mul3A_53, %mul3A_0 : i32
    "tpu.region"() ({
      %run_scoped3A = tpu.sem_alloc : memref<!tpu.dma_semaphore, #tpu.memory_space<semaphore_mem>>
      %dma_start3A_55 = arith.constant 0 : i32
      %dma_start3A_56 = tpu.memref_slice %arg6[%add3A_54, %dma_start3A_55] : memref<20480x128xf32, #tpu.memory_space<hbm>> -> memref<640x128xf32, #tpu.memory_space<hbm>>
      %dma_start3A_57 = arith.constant 0 : i32
      %dma_start3A_58 = tpu.memref_slice %arg13[%mul3A_0, %dma_start3A_57] : memref<10240x128xf32, #tpu.memory_space<vmem_shared>> -> memref<640x128xf32, #tpu.memory_space<vmem_shared>>
      tpu.enqueue_dma source(%dma_start3A_58 : memref<640x128xf32, #tpu.memory_space<vmem_shared>>) target(%dma_start3A_56 : memref<640x128xf32, #tpu.memory_space<hbm>>) target_semaphore(%run_scoped3A : memref<!tpu.dma_semaphore, #tpu.memory_space<semaphore_mem>>)
      %dma_wait3A_59 = arith.constant 0 : i32
      %dma_wait3A_60 = tpu.memref_slice %arg6[%add3A_54, %dma_wait3A_59] : memref<20480x128xf32, #tpu.memory_space<hbm>> -> memref<640x128xf32, #tpu.memory_space<hbm>>
      %dma_wait3A_61 = arith.constant 0 : i32
      %dma_wait3A_62 = tpu.memref_slice %arg13[%mul3A_0, %dma_wait3A_61] : memref<10240x128xf32, #tpu.memory_space<vmem_shared>> -> memref<640x128xf32, #tpu.memory_space<vmem_shared>>
      tpu.wait_dma2 semaphore(%run_scoped3A : memref<!tpu.dma_semaphore, #tpu.memory_space<semaphore_mem>>) src(%dma_wait3A_62 : memref<640x128xf32, #tpu.memory_space<vmem_shared>>) dst(%dma_wait3A_60 : memref<640x128xf32, #tpu.memory_space<hbm>>)
      tpu.yield
    }) : () -> ()
    return
  }
}

#map = affine_map<(d0, d1) -> (0)>
#map1 = affine_map<(d0, d1) -> (0, 0)>
module attributes {stable_mosaic.version = 14 : i64} {
  func.func @_deg_body(%arg0: i32, %arg1: i32, %arg2: memref<163840xi32, #tpu.memory_space<hbm>>, %arg3: memref<128x128xf32, #tpu.memory_space<hbm>>, %arg4: memref<640x128xf32, #tpu.memory_space<hbm>>, %arg5: memref<20480x128xf32, #tpu.memory_space<hbm>>, %arg6: memref<128xi32, #tpu.memory_space<vmem>>, %arg7: memref<128xi32, #tpu.memory_space<vmem>>, %arg8: memref<128x128xf32, #tpu.memory_space<vmem>>, %arg9: memref<10240x128xf32, #tpu.memory_space<vmem_shared>>, %arg10: memref<!tpu.dma_semaphore, #tpu.memory_space<semaphore_mem>>, %arg11: memref<!tpu.dma_semaphore, #tpu.memory_space<semaphore_mem>>) attributes {dimension_semantics = [#tpu.dimension_semantics<core_parallel>, #tpu.dimension_semantics<subcore_parallel>], iteration_bounds = array<i64: 2, 16>, scalar_prefetch = 0 : i64, scratch_operands = 6 : i64, tpu.core_type = #tpu.core_type<sc_vector_subcore>, window_params = [{transform_indices = #map}, {transform_indices = #map1}, {transform_indices = #map1}, {transform_indices = #map1}]} {
    %mul3A = arith.constant 16 : i32
    %mul3A_0 = arith.muli %arg0, %mul3A : i32
    %add3A = arith.addi %mul3A_0, %arg1 : i32
    %mul3A_1 = arith.constant 640 : i32
    %mul3A_2 = arith.muli %arg1, %mul3A_1 : i32
    %mul3A_3 = arith.constant 5120 : i32
    %mul3A_4 = arith.muli %add3A, %mul3A_3 : i32
    "tpu.region"() ({
      %run_scoped3A = tpu.sem_alloc : memref<!tpu.dma_semaphore, #tpu.memory_space<semaphore_mem>>
      tpu.enqueue_dma source(%arg3 : memref<128x128xf32, #tpu.memory_space<hbm>>) target(%arg8 : memref<128x128xf32, #tpu.memory_space<vmem>>) target_semaphore(%run_scoped3A : memref<!tpu.dma_semaphore, #tpu.memory_space<semaphore_mem>>)
      tpu.wait_dma2 semaphore(%run_scoped3A : memref<!tpu.dma_semaphore, #tpu.memory_space<semaphore_mem>>) src(%arg3 : memref<128x128xf32, #tpu.memory_space<hbm>>) dst(%arg8 : memref<128x128xf32, #tpu.memory_space<vmem>>)
      tpu.yield
    }) : () -> ()
    "tpu.region"() ({
      %run_scoped3A = tpu.sem_alloc : memref<!tpu.dma_semaphore, #tpu.memory_space<semaphore_mem>>
      %dma_start3A_16 = arith.constant 0 : i32
      %dma_start3A_17 = tpu.memref_slice %arg9[%mul3A_2, %dma_start3A_16] : memref<10240x128xf32, #tpu.memory_space<vmem_shared>> -> memref<640x128xf32, #tpu.memory_space<vmem_shared>>
      tpu.enqueue_dma source(%arg4 : memref<640x128xf32, #tpu.memory_space<hbm>>) target(%dma_start3A_17 : memref<640x128xf32, #tpu.memory_space<vmem_shared>>) target_semaphore(%run_scoped3A : memref<!tpu.dma_semaphore, #tpu.memory_space<semaphore_mem>>)
      %dma_wait3A = arith.constant 0 : i32
      %dma_wait3A_18 = tpu.memref_slice %arg9[%mul3A_2, %dma_wait3A] : memref<10240x128xf32, #tpu.memory_space<vmem_shared>> -> memref<640x128xf32, #tpu.memory_space<vmem_shared>>
      tpu.wait_dma2 semaphore(%run_scoped3A : memref<!tpu.dma_semaphore, #tpu.memory_space<semaphore_mem>>) src(%arg4 : memref<640x128xf32, #tpu.memory_space<hbm>>) dst(%dma_wait3A_18 : memref<640x128xf32, #tpu.memory_space<vmem_shared>>)
      tpu.yield
    }) : () -> ()
    %dma_start3A = tpu.memref_slice %arg2[%mul3A_4] : memref<163840xi32, #tpu.memory_space<hbm>> -> memref<128xi32, #tpu.memory_space<hbm>>
    %dma_start3A_5 = tpu.memref_slice %arg2[%mul3A_4] : memref<163840xi32, #tpu.memory_space<hbm>> -> memref<128xi32, #tpu.memory_space<hbm>>
    tpu.enqueue_dma source(%dma_start3A_5 : memref<128xi32, #tpu.memory_space<hbm>>) target(%arg6 : memref<128xi32, #tpu.memory_space<vmem>>) target_semaphore(%arg10 : memref<!tpu.dma_semaphore, #tpu.memory_space<semaphore_mem>>)
    %barrier3A = arith.constant 0 : index
    tpu.barrier barrier_id(%barrier3A)
    %scan3A = arith.constant 0 : i32
    %scan3A_6 = arith.constant 0 : i32
    %scan3A_7 = arith.constant 20 : i32
    %scan3A_8 = arith.addi %scan3A_6, %scan3A_7 : i32
    %scan3A_9 = arith.constant 1 : i32
    %scan3A_10 = scf.for %scan3A_16 = %scan3A_6 to %scan3A_8 step %scan3A_9 iter_args(%scan3A_17 = %scan3A) -> (i32)  : i32 {
      %mul3A_18 = arith.constant 2 : i32
      %mul3A_19 = arith.muli %mul3A_18, %scan3A_16 : i32
      %add3A_20 = arith.constant 1 : i32
      %add3A_21 = arith.addi %mul3A_19, %add3A_20 : i32
      %mul3A_22 = arith.constant 128 : i32
      %mul3A_23 = arith.muli %add3A_21, %mul3A_22 : i32
      %add3A_24 = arith.addi %mul3A_4, %mul3A_23 : i32
      %dma_start3A_25 = tpu.memref_slice %arg2[%add3A_24] : memref<163840xi32, #tpu.memory_space<hbm>> -> memref<128xi32, #tpu.memory_space<hbm>>
      %dma_start3A_26 = tpu.memref_slice %arg2[%add3A_24] : memref<163840xi32, #tpu.memory_space<hbm>> -> memref<128xi32, #tpu.memory_space<hbm>>
      tpu.enqueue_dma source(%dma_start3A_26 : memref<128xi32, #tpu.memory_space<hbm>>) target(%arg7 : memref<128xi32, #tpu.memory_space<vmem>>) target_semaphore(%arg11 : memref<!tpu.dma_semaphore, #tpu.memory_space<semaphore_mem>>)
      %dma_wait3A = arith.constant 0 : i32
      %dma_wait3A_27 = tpu.memref_slice %arg2[%dma_wait3A] : memref<163840xi32, #tpu.memory_space<hbm>> -> memref<128xi32, #tpu.memory_space<hbm>>
      %dma_wait3A_28 = arith.constant 0 : i32
      %dma_wait3A_29 = tpu.memref_slice %arg2[%dma_wait3A_28] : memref<163840xi32, #tpu.memory_space<hbm>> -> memref<128xi32, #tpu.memory_space<hbm>>
      tpu.wait_dma2 semaphore(%arg10 : memref<!tpu.dma_semaphore, #tpu.memory_space<semaphore_mem>>) src(%dma_wait3A_29 : memref<128xi32, #tpu.memory_space<hbm>>) dst(%arg6 : memref<128xi32, #tpu.memory_space<vmem>>)
      "tpu.region"() ({
        %run_scoped3A = tpu.sem_alloc : memref<!tpu.dma_semaphore, #tpu.memory_space<semaphore_mem>>
        %dma_start3A_39 = arith.constant 0 : i32
        %dma_start3A_40 = arith.constant 0 : i32
        %dma_start3A_41 = tpu.memref_slice %arg9[%dma_start3A_39, %dma_start3A_40] : memref<10240x128xf32, #tpu.memory_space<vmem_shared>> -> memref<10240x128xf32, #tpu.memory_space<vmem_shared>>
        tpu.enqueue_indirect_dma source(%arg8 : memref<128x128xf32, #tpu.memory_space<vmem>>) target(%dma_start3A_41 : memref<10240x128xf32, #tpu.memory_space<vmem_shared>>) offsets(%arg6 : memref<128xi32, #tpu.memory_space<vmem>>) semaphore(%run_scoped3A : memref<!tpu.dma_semaphore, #tpu.memory_space<semaphore_mem>>) {add = true}
        %dma_wait3A_42 = arith.constant 0 : i32
        %dma_wait3A_43 = arith.constant 0 : i32
        %dma_wait3A_44 = tpu.memref_slice %arg9[%dma_wait3A_42, %dma_wait3A_43] : memref<10240x128xf32, #tpu.memory_space<vmem_shared>> -> memref<10240x128xf32, #tpu.memory_space<vmem_shared>>
        tpu.wait_indirect_dma semaphore(%run_scoped3A : memref<!tpu.dma_semaphore, #tpu.memory_space<semaphore_mem>>) src(%arg8 : memref<128x128xf32, #tpu.memory_space<vmem>>) dst(%dma_wait3A_44 : memref<10240x128xf32, #tpu.memory_space<vmem_shared>>)
        tpu.yield
      }) : () -> ()
      %add3A_30 = arith.constant 2 : i32
      %add3A_31 = arith.addi %mul3A_19, %add3A_30 : i32
      %lt3A = arith.constant 40 : i32
      %lt3A_32 = arith.cmpi slt, %add3A_31, %lt3A : i32
      %convert_element_type3A = arith.extui %lt3A_32 : i1 to i32
      %cond3A = arith.constant 0 : i32
      %cond3A_33 = arith.cmpi ne, %convert_element_type3A, %cond3A : i32
      scf.if %cond3A_33 {
        %add3A_39 = arith.constant 2 : i32
        %add3A_40 = arith.addi %mul3A_19, %add3A_39 : i32
        %mul3A_41 = arith.constant 128 : i32
        %mul3A_42 = arith.muli %add3A_40, %mul3A_41 : i32
        %add3A_43 = arith.addi %mul3A_4, %mul3A_42 : i32
        %dma_start3A_44 = tpu.memref_slice %arg2[%add3A_43] : memref<163840xi32, #tpu.memory_space<hbm>> -> memref<128xi32, #tpu.memory_space<hbm>>
        %dma_start3A_45 = tpu.memref_slice %arg2[%add3A_43] : memref<163840xi32, #tpu.memory_space<hbm>> -> memref<128xi32, #tpu.memory_space<hbm>>
        tpu.enqueue_dma source(%dma_start3A_45 : memref<128xi32, #tpu.memory_space<hbm>>) target(%arg6 : memref<128xi32, #tpu.memory_space<vmem>>) target_semaphore(%arg10 : memref<!tpu.dma_semaphore, #tpu.memory_space<semaphore_mem>>)
      } else {
      }
      %dma_wait3A_34 = arith.constant 0 : i32
      %dma_wait3A_35 = tpu.memref_slice %arg2[%dma_wait3A_34] : memref<163840xi32, #tpu.memory_space<hbm>> -> memref<128xi32, #tpu.memory_space<hbm>>
      %dma_wait3A_36 = arith.constant 0 : i32
      %dma_wait3A_37 = tpu.memref_slice %arg2[%dma_wait3A_36] : memref<163840xi32, #tpu.memory_space<hbm>> -> memref<128xi32, #tpu.memory_space<hbm>>
      tpu.wait_dma2 semaphore(%arg11 : memref<!tpu.dma_semaphore, #tpu.memory_space<semaphore_mem>>) src(%dma_wait3A_37 : memref<128xi32, #tpu.memory_space<hbm>>) dst(%arg7 : memref<128xi32, #tpu.memory_space<vmem>>)
      "tpu.region"() ({
        %run_scoped3A = tpu.sem_alloc : memref<!tpu.dma_semaphore, #tpu.memory_space<semaphore_mem>>
        %dma_start3A_39 = arith.constant 0 : i32
        %dma_start3A_40 = arith.constant 0 : i32
        %dma_start3A_41 = tpu.memref_slice %arg9[%dma_start3A_39, %dma_start3A_40] : memref<10240x128xf32, #tpu.memory_space<vmem_shared>> -> memref<10240x128xf32, #tpu.memory_space<vmem_shared>>
        tpu.enqueue_indirect_dma source(%arg8 : memref<128x128xf32, #tpu.memory_space<vmem>>) target(%dma_start3A_41 : memref<10240x128xf32, #tpu.memory_space<vmem_shared>>) offsets(%arg7 : memref<128xi32, #tpu.memory_space<vmem>>) semaphore(%run_scoped3A : memref<!tpu.dma_semaphore, #tpu.memory_space<semaphore_mem>>) {add = true}
        %dma_wait3A_42 = arith.constant 0 : i32
        %dma_wait3A_43 = arith.constant 0 : i32
        %dma_wait3A_44 = tpu.memref_slice %arg9[%dma_wait3A_42, %dma_wait3A_43] : memref<10240x128xf32, #tpu.memory_space<vmem_shared>> -> memref<10240x128xf32, #tpu.memory_space<vmem_shared>>
        tpu.wait_indirect_dma semaphore(%run_scoped3A : memref<!tpu.dma_semaphore, #tpu.memory_space<semaphore_mem>>) src(%arg8 : memref<128x128xf32, #tpu.memory_space<vmem>>) dst(%dma_wait3A_44 : memref<10240x128xf32, #tpu.memory_space<vmem_shared>>)
        tpu.yield
      }) : () -> ()
      %scan3A_38 = arith.constant 0 : i32
      scf.yield %scan3A_38 : i32
    }
    %scan3A_11 = arith.constant 20 : i32
    %barrier3A_12 = arith.constant 0 : index
    tpu.barrier barrier_id(%barrier3A_12)
    %mul3A_13 = arith.constant 10240 : i32
    %mul3A_14 = arith.muli %arg0, %mul3A_13 : i32
    %add3A_15 = arith.addi %mul3A_14, %mul3A_2 : i32
    "tpu.region"() ({
      %run_scoped3A = tpu.sem_alloc : memref<!tpu.dma_semaphore, #tpu.memory_space<semaphore_mem>>
      %dma_start3A_16 = arith.constant 0 : i32
      %dma_start3A_17 = tpu.memref_slice %arg5[%add3A_15, %dma_start3A_16] : memref<20480x128xf32, #tpu.memory_space<hbm>> -> memref<640x128xf32, #tpu.memory_space<hbm>>
      %dma_start3A_18 = arith.constant 0 : i32
      %dma_start3A_19 = tpu.memref_slice %arg9[%mul3A_2, %dma_start3A_18] : memref<10240x128xf32, #tpu.memory_space<vmem_shared>> -> memref<640x128xf32, #tpu.memory_space<vmem_shared>>
      tpu.enqueue_dma source(%dma_start3A_19 : memref<640x128xf32, #tpu.memory_space<vmem_shared>>) target(%dma_start3A_17 : memref<640x128xf32, #tpu.memory_space<hbm>>) target_semaphore(%run_scoped3A : memref<!tpu.dma_semaphore, #tpu.memory_space<semaphore_mem>>)
      %dma_wait3A = arith.constant 0 : i32
      %dma_wait3A_20 = tpu.memref_slice %arg5[%add3A_15, %dma_wait3A] : memref<20480x128xf32, #tpu.memory_space<hbm>> -> memref<640x128xf32, #tpu.memory_space<hbm>>
      %dma_wait3A_21 = arith.constant 0 : i32
      %dma_wait3A_22 = tpu.memref_slice %arg9[%mul3A_2, %dma_wait3A_21] : memref<10240x128xf32, #tpu.memory_space<vmem_shared>> -> memref<640x128xf32, #tpu.memory_space<vmem_shared>>
      tpu.wait_dma2 semaphore(%run_scoped3A : memref<!tpu.dma_semaphore, #tpu.memory_space<semaphore_mem>>) src(%dma_wait3A_22 : memref<640x128xf32, #tpu.memory_space<vmem_shared>>) dst(%dma_wait3A_20 : memref<640x128xf32, #tpu.memory_space<hbm>>)
      tpu.yield
    }) : () -> ()
    return
  }
}

#map = affine_map<(d0, d1) -> (0, 0)>
#map1 = affine_map<(d0, d1) -> (0)>
module attributes {stable_mosaic.version = 14 : i64} {
  func.func @_prop_body(%arg0: i32, %arg1: i32, %arg2: memref<10240x128xf32, #tpu.memory_space<hbm>>, %arg3: memref<163840xi32, #tpu.memory_space<hbm>>, %arg4: memref<163840xi32, #tpu.memory_space<hbm>>, %arg5: memref<640x128xf32, #tpu.memory_space<hbm>>, %arg6: memref<20480x128xf32, #tpu.memory_space<hbm>>, %arg7: memref<128xi32, #tpu.memory_space<vmem>>, %arg8: memref<128xi32, #tpu.memory_space<vmem>>, %arg9: memref<128xi32, #tpu.memory_space<vmem>>, %arg10: memref<128xi32, #tpu.memory_space<vmem>>, %arg11: memref<128x128xf32, #tpu.memory_space<vmem>>, %arg12: memref<128x128xf32, #tpu.memory_space<vmem>>, %arg13: memref<10240x128xf32, #tpu.memory_space<vmem_shared>>, %arg14: memref<!tpu.dma_semaphore, #tpu.memory_space<semaphore_mem>>, %arg15: memref<!tpu.dma_semaphore, #tpu.memory_space<semaphore_mem>>, %arg16: memref<!tpu.dma_semaphore, #tpu.memory_space<semaphore_mem>>, %arg17: memref<!tpu.dma_semaphore, #tpu.memory_space<semaphore_mem>>, %arg18: memref<!tpu.dma_semaphore, #tpu.memory_space<semaphore_mem>>, %arg19: memref<!tpu.dma_semaphore, #tpu.memory_space<semaphore_mem>>) attributes {dimension_semantics = [#tpu.dimension_semantics<core_parallel>, #tpu.dimension_semantics<subcore_parallel>], iteration_bounds = array<i64: 2, 16>, scalar_prefetch = 0 : i64, scratch_operands = 13 : i64, tpu.core_type = #tpu.core_type<sc_vector_subcore>, window_params = [{transform_indices = #map}, {transform_indices = #map1}, {transform_indices = #map1}, {transform_indices = #map}, {transform_indices = #map}]} {
    %mul3A = arith.constant 640 : i32
    %mul3A_0 = arith.muli %arg1, %mul3A : i32
    %eq3A = arith.constant 0 : i32
    %eq3A_1 = arith.cmpi eq, %arg0, %eq3A : i32
    %jit3A = arith.constant 60 : i32
    %jit3A_2 = arith.constant 20 : i32
    %select_n3A = arith.select %eq3A_1, %jit3A, %jit3A_2 : i32
    %eq3A_3 = arith.constant 0 : i32
    %eq3A_4 = arith.cmpi eq, %arg0, %eq3A_3 : i32
    %mul3A_5 = arith.constant 60 : i32
    %mul3A_6 = arith.muli %arg1, %mul3A_5 : i32
    %mul3A_7 = arith.constant 20 : i32
    %mul3A_8 = arith.muli %arg1, %mul3A_7 : i32
    %add3A = arith.constant 960 : i32
    %add3A_9 = arith.addi %add3A, %mul3A_8 : i32
    %select_n3A_10 = arith.select %eq3A_4, %mul3A_6, %add3A_9 : i32
    %mul3A_11 = arith.constant 128 : i32
    %mul3A_12 = arith.muli %select_n3A_10, %mul3A_11 : i32
    "tpu.region"() ({
      %run_scoped3A = tpu.sem_alloc : memref<!tpu.dma_semaphore, #tpu.memory_space<semaphore_mem>>
      %dma_start3A_55 = arith.constant 0 : i32
      %dma_start3A_56 = tpu.memref_slice %arg13[%mul3A_0, %dma_start3A_55] : memref<10240x128xf32, #tpu.memory_space<vmem_shared>> -> memref<640x128xf32, #tpu.memory_space<vmem_shared>>
      tpu.enqueue_dma source(%arg5 : memref<640x128xf32, #tpu.memory_space<hbm>>) target(%dma_start3A_56 : memref<640x128xf32, #tpu.memory_space<vmem_shared>>) target_semaphore(%run_scoped3A : memref<!tpu.dma_semaphore, #tpu.memory_space<semaphore_mem>>)
      %dma_wait3A_57 = arith.constant 0 : i32
      %dma_wait3A_58 = tpu.memref_slice %arg13[%mul3A_0, %dma_wait3A_57] : memref<10240x128xf32, #tpu.memory_space<vmem_shared>> -> memref<640x128xf32, #tpu.memory_space<vmem_shared>>
      tpu.wait_dma2 semaphore(%run_scoped3A : memref<!tpu.dma_semaphore, #tpu.memory_space<semaphore_mem>>) src(%arg5 : memref<640x128xf32, #tpu.memory_space<hbm>>) dst(%dma_wait3A_58 : memref<640x128xf32, #tpu.memory_space<vmem_shared>>)
      tpu.yield
    }) : () -> ()
    %dma_start3A = tpu.memref_slice %arg3[%mul3A_12] : memref<163840xi32, #tpu.memory_space<hbm>> -> memref<128xi32, #tpu.memory_space<hbm>>
    %dma_start3A_13 = tpu.memref_slice %arg3[%mul3A_12] : memref<163840xi32, #tpu.memory_space<hbm>> -> memref<128xi32, #tpu.memory_space<hbm>>
    tpu.enqueue_dma source(%dma_start3A_13 : memref<128xi32, #tpu.memory_space<hbm>>) target(%arg7 : memref<128xi32, #tpu.memory_space<vmem>>) target_semaphore(%arg14 : memref<!tpu.dma_semaphore, #tpu.memory_space<semaphore_mem>>)
    %dma_start3A_14 = tpu.memref_slice %arg4[%mul3A_12] : memref<163840xi32, #tpu.memory_space<hbm>> -> memref<128xi32, #tpu.memory_space<hbm>>
    %dma_start3A_15 = tpu.memref_slice %arg4[%mul3A_12] : memref<163840xi32, #tpu.memory_space<hbm>> -> memref<128xi32, #tpu.memory_space<hbm>>
    tpu.enqueue_dma source(%dma_start3A_15 : memref<128xi32, #tpu.memory_space<hbm>>) target(%arg9 : memref<128xi32, #tpu.memory_space<vmem>>) target_semaphore(%arg16 : memref<!tpu.dma_semaphore, #tpu.memory_space<semaphore_mem>>)
    %dma_wait3A = arith.constant 0 : i32
    %dma_wait3A_16 = tpu.memref_slice %arg3[%dma_wait3A] : memref<163840xi32, #tpu.memory_space<hbm>> -> memref<128xi32, #tpu.memory_space<hbm>>
    %dma_wait3A_17 = arith.constant 0 : i32
    %dma_wait3A_18 = tpu.memref_slice %arg3[%dma_wait3A_17] : memref<163840xi32, #tpu.memory_space<hbm>> -> memref<128xi32, #tpu.memory_space<hbm>>
    tpu.wait_dma2 semaphore(%arg14 : memref<!tpu.dma_semaphore, #tpu.memory_space<semaphore_mem>>) src(%dma_wait3A_18 : memref<128xi32, #tpu.memory_space<hbm>>) dst(%arg7 : memref<128xi32, #tpu.memory_space<vmem>>)
    %dma_start3A_19 = arith.constant 0 : i32
    %dma_start3A_20 = arith.constant 0 : i32
    %dma_start3A_21 = tpu.memref_slice %arg2[%dma_start3A_19, %dma_start3A_20] : memref<10240x128xf32, #tpu.memory_space<hbm>> -> memref<10240x128xf32, #tpu.memory_space<hbm>>
    tpu.enqueue_indirect_dma source(%dma_start3A_21 : memref<10240x128xf32, #tpu.memory_space<hbm>>) target(%arg11 : memref<128x128xf32, #tpu.memory_space<vmem>>) offsets(%arg7 : memref<128xi32, #tpu.memory_space<vmem>>) semaphore(%arg18 : memref<!tpu.dma_semaphore, #tpu.memory_space<semaphore_mem>>)
    %barrier3A = arith.constant 0 : index
    tpu.barrier barrier_id(%barrier3A)
    %jit3A_22 = arith.constant 2 : i32
    %div3A = arith.divsi %select_n3A, %jit3A_22 : i32
    %sign3A = arith.constant 0 : i32
    %sign3A_23 = arith.cmpi sgt, %select_n3A, %sign3A : i32
    %sign3A_24 = arith.extui %sign3A_23 : i1 to i32
    %sign3A_25 = arith.constant 0 : i32
    %sign3A_26 = arith.cmpi slt, %select_n3A, %sign3A_25 : i32
    %sign3A_27 = arith.extui %sign3A_26 : i1 to i32
    %sign3A_28 = arith.subi %sign3A_24, %sign3A_27 : i32
    %sign3A_29 = arith.constant 0 : i32
    %sign3A_30 = arith.cmpi sgt, %jit3A_22, %sign3A_29 : i32
    %sign3A_31 = arith.extui %sign3A_30 : i1 to i32
    %sign3A_32 = arith.constant 0 : i32
    %sign3A_33 = arith.cmpi slt, %jit3A_22, %sign3A_32 : i32
    %sign3A_34 = arith.extui %sign3A_33 : i1 to i32
    %sign3A_35 = arith.subi %sign3A_31, %sign3A_34 : i32
    %ne3A = arith.cmpi ne, %sign3A_28, %sign3A_35 : i32
    %rem3A = arith.remsi %select_n3A, %jit3A_22 : i32
    %ne3A_36 = arith.constant 0 : i32
    %ne3A_37 = arith.cmpi ne, %rem3A, %ne3A_36 : i32
    %and3A = arith.andi %ne3A, %ne3A_37 : i1
    %sub3A = arith.constant 1 : i32
    %sub3A_38 = arith.subi %div3A, %sub3A : i32
    %select_n3A_39 = arith.select %and3A, %sub3A_38, %div3A : i32
    %while3A = arith.constant 0 : i32
    %while3A_40 = arith.constant 0 : i32
    %while3A_41 = arith.subi %select_n3A_39, %while3A : i32
    %while3A_42 = arith.addi %while3A, %while3A_41 : i32
    %while3A_43 = arith.constant 1 : i32
    %while3A_44 = arith.divsi %while3A_41, %while3A_43 : i32
    %while3A_45 = arith.muli %while3A_44, %while3A_43 : i32
    %while3A_46 = arith.addi %while3A, %while3A_45 : i32
    %while3A_47 = arith.constant 1 : i32
    %while3A_48 = scf.for %while3A_55 = %while3A to %while3A_46 step %while3A_47 iter_args(%while3A_56 = %while3A_40) -> (i32)  : i32 {
      %mul3A_57 = arith.constant 2 : i32
      %mul3A_58 = arith.muli %mul3A_57, %while3A_55 : i32
      %add3A_59 = arith.constant 1 : i32
      %add3A_60 = arith.addi %mul3A_58, %add3A_59 : i32
      %mul3A_61 = arith.constant 128 : i32
      %mul3A_62 = arith.muli %add3A_60, %mul3A_61 : i32
      %add3A_63 = arith.addi %mul3A_12, %mul3A_62 : i32
      %dma_start3A_64 = tpu.memref_slice %arg3[%add3A_63] : memref<163840xi32, #tpu.memory_space<hbm>> -> memref<128xi32, #tpu.memory_space<hbm>>
      %dma_start3A_65 = tpu.memref_slice %arg3[%add3A_63] : memref<163840xi32, #tpu.memory_space<hbm>> -> memref<128xi32, #tpu.memory_space<hbm>>
      tpu.enqueue_dma source(%dma_start3A_65 : memref<128xi32, #tpu.memory_space<hbm>>) target(%arg8 : memref<128xi32, #tpu.memory_space<vmem>>) target_semaphore(%arg15 : memref<!tpu.dma_semaphore, #tpu.memory_space<semaphore_mem>>)
      %add3A_66 = arith.constant 1 : i32
      %add3A_67 = arith.addi %mul3A_58, %add3A_66 : i32
      %mul3A_68 = arith.constant 128 : i32
      %mul3A_69 = arith.muli %add3A_67, %mul3A_68 : i32
      %add3A_70 = arith.addi %mul3A_12, %mul3A_69 : i32
      %dma_start3A_71 = tpu.memref_slice %arg4[%add3A_70] : memref<163840xi32, #tpu.memory_space<hbm>> -> memref<128xi32, #tpu.memory_space<hbm>>
      %dma_start3A_72 = tpu.memref_slice %arg4[%add3A_70] : memref<163840xi32, #tpu.memory_space<hbm>> -> memref<128xi32, #tpu.memory_space<hbm>>
      tpu.enqueue_dma source(%dma_start3A_72 : memref<128xi32, #tpu.memory_space<hbm>>) target(%arg10 : memref<128xi32, #tpu.memory_space<vmem>>) target_semaphore(%arg17 : memref<!tpu.dma_semaphore, #tpu.memory_space<semaphore_mem>>)
      %dma_wait3A_73 = arith.constant 0 : i32
      %dma_wait3A_74 = tpu.memref_slice %arg3[%dma_wait3A_73] : memref<163840xi32, #tpu.memory_space<hbm>> -> memref<128xi32, #tpu.memory_space<hbm>>
      %dma_wait3A_75 = arith.constant 0 : i32
      %dma_wait3A_76 = tpu.memref_slice %arg3[%dma_wait3A_75] : memref<163840xi32, #tpu.memory_space<hbm>> -> memref<128xi32, #tpu.memory_space<hbm>>
      tpu.wait_dma2 semaphore(%arg15 : memref<!tpu.dma_semaphore, #tpu.memory_space<semaphore_mem>>) src(%dma_wait3A_76 : memref<128xi32, #tpu.memory_space<hbm>>) dst(%arg8 : memref<128xi32, #tpu.memory_space<vmem>>)
      %dma_start3A_77 = arith.constant 0 : i32
      %dma_start3A_78 = arith.constant 0 : i32
      %dma_start3A_79 = tpu.memref_slice %arg2[%dma_start3A_77, %dma_start3A_78] : memref<10240x128xf32, #tpu.memory_space<hbm>> -> memref<10240x128xf32, #tpu.memory_space<hbm>>
      tpu.enqueue_indirect_dma source(%dma_start3A_79 : memref<10240x128xf32, #tpu.memory_space<hbm>>) target(%arg12 : memref<128x128xf32, #tpu.memory_space<vmem>>) offsets(%arg8 : memref<128xi32, #tpu.memory_space<vmem>>) semaphore(%arg19 : memref<!tpu.dma_semaphore, #tpu.memory_space<semaphore_mem>>)
      %dma_wait3A_80 = arith.constant 0 : i32
      %dma_wait3A_81 = arith.constant 0 : i32
      %dma_wait3A_82 = tpu.memref_slice %arg2[%dma_wait3A_80, %dma_wait3A_81] : memref<10240x128xf32, #tpu.memory_space<hbm>> -> memref<10240x128xf32, #tpu.memory_space<hbm>>
      tpu.wait_indirect_dma semaphore(%arg18 : memref<!tpu.dma_semaphore, #tpu.memory_space<semaphore_mem>>) src(%dma_wait3A_82 : memref<10240x128xf32, #tpu.memory_space<hbm>>) dst(%arg11 : memref<128x128xf32, #tpu.memory_space<vmem>>)
      %dma_wait3A_83 = arith.constant 0 : i32
      %dma_wait3A_84 = tpu.memref_slice %arg4[%dma_wait3A_83] : memref<163840xi32, #tpu.memory_space<hbm>> -> memref<128xi32, #tpu.memory_space<hbm>>
      %dma_wait3A_85 = arith.constant 0 : i32
      %dma_wait3A_86 = tpu.memref_slice %arg4[%dma_wait3A_85] : memref<163840xi32, #tpu.memory_space<hbm>> -> memref<128xi32, #tpu.memory_space<hbm>>
      tpu.wait_dma2 semaphore(%arg16 : memref<!tpu.dma_semaphore, #tpu.memory_space<semaphore_mem>>) src(%dma_wait3A_86 : memref<128xi32, #tpu.memory_space<hbm>>) dst(%arg9 : memref<128xi32, #tpu.memory_space<vmem>>)
      "tpu.region"() ({
        %run_scoped3A = tpu.sem_alloc : memref<!tpu.dma_semaphore, #tpu.memory_space<semaphore_mem>>
        %dma_start3A_98 = arith.constant 0 : i32
        %dma_start3A_99 = arith.constant 0 : i32
        %dma_start3A_100 = tpu.memref_slice %arg13[%dma_start3A_98, %dma_start3A_99] : memref<10240x128xf32, #tpu.memory_space<vmem_shared>> -> memref<10240x128xf32, #tpu.memory_space<vmem_shared>>
        tpu.enqueue_indirect_dma source(%arg11 : memref<128x128xf32, #tpu.memory_space<vmem>>) target(%dma_start3A_100 : memref<10240x128xf32, #tpu.memory_space<vmem_shared>>) offsets(%arg9 : memref<128xi32, #tpu.memory_space<vmem>>) semaphore(%run_scoped3A : memref<!tpu.dma_semaphore, #tpu.memory_space<semaphore_mem>>) {add = true}
        %dma_wait3A_101 = arith.constant 0 : i32
        %dma_wait3A_102 = arith.constant 0 : i32
        %dma_wait3A_103 = tpu.memref_slice %arg13[%dma_wait3A_101, %dma_wait3A_102] : memref<10240x128xf32, #tpu.memory_space<vmem_shared>> -> memref<10240x128xf32, #tpu.memory_space<vmem_shared>>
        tpu.wait_indirect_dma semaphore(%run_scoped3A : memref<!tpu.dma_semaphore, #tpu.memory_space<semaphore_mem>>) src(%arg11 : memref<128x128xf32, #tpu.memory_space<vmem>>) dst(%dma_wait3A_103 : memref<10240x128xf32, #tpu.memory_space<vmem_shared>>)
        tpu.yield
      }) : () -> ()
      %add3A_87 = arith.constant 2 : i32
      %add3A_88 = arith.addi %mul3A_58, %add3A_87 : i32
      %lt3A = arith.cmpi slt, %add3A_88, %select_n3A : i32
      %convert_element_type3A = arith.extui %lt3A : i1 to i32
      %cond3A = arith.constant 0 : i32
      %cond3A_89 = arith.cmpi ne, %convert_element_type3A, %cond3A : i32
      scf.if %cond3A_89 {
        %add3A_98 = arith.constant 2 : i32
        %add3A_99 = arith.addi %mul3A_58, %add3A_98 : i32
        %mul3A_100 = arith.constant 128 : i32
        %mul3A_101 = arith.muli %add3A_99, %mul3A_100 : i32
        %add3A_102 = arith.addi %mul3A_12, %mul3A_101 : i32
        %dma_start3A_103 = tpu.memref_slice %arg3[%add3A_102] : memref<163840xi32, #tpu.memory_space<hbm>> -> memref<128xi32, #tpu.memory_space<hbm>>
        %dma_start3A_104 = tpu.memref_slice %arg3[%add3A_102] : memref<163840xi32, #tpu.memory_space<hbm>> -> memref<128xi32, #tpu.memory_space<hbm>>
        tpu.enqueue_dma source(%dma_start3A_104 : memref<128xi32, #tpu.memory_space<hbm>>) target(%arg7 : memref<128xi32, #tpu.memory_space<vmem>>) target_semaphore(%arg14 : memref<!tpu.dma_semaphore, #tpu.memory_space<semaphore_mem>>)
        %add3A_105 = arith.constant 2 : i32
        %add3A_106 = arith.addi %mul3A_58, %add3A_105 : i32
        %mul3A_107 = arith.constant 128 : i32
        %mul3A_108 = arith.muli %add3A_106, %mul3A_107 : i32
        %add3A_109 = arith.addi %mul3A_12, %mul3A_108 : i32
        %dma_start3A_110 = tpu.memref_slice %arg4[%add3A_109] : memref<163840xi32, #tpu.memory_space<hbm>> -> memref<128xi32, #tpu.memory_space<hbm>>
        %dma_start3A_111 = tpu.memref_slice %arg4[%add3A_109] : memref<163840xi32, #tpu.memory_space<hbm>> -> memref<128xi32, #tpu.memory_space<hbm>>
        tpu.enqueue_dma source(%dma_start3A_111 : memref<128xi32, #tpu.memory_space<hbm>>) target(%arg9 : memref<128xi32, #tpu.memory_space<vmem>>) target_semaphore(%arg16 : memref<!tpu.dma_semaphore, #tpu.memory_space<semaphore_mem>>)
        %dma_wait3A_112 = arith.constant 0 : i32
        %dma_wait3A_113 = tpu.memref_slice %arg3[%dma_wait3A_112] : memref<163840xi32, #tpu.memory_space<hbm>> -> memref<128xi32, #tpu.memory_space<hbm>>
        %dma_wait3A_114 = arith.constant 0 : i32
        %dma_wait3A_115 = tpu.memref_slice %arg3[%dma_wait3A_114] : memref<163840xi32, #tpu.memory_space<hbm>> -> memref<128xi32, #tpu.memory_space<hbm>>
        tpu.wait_dma2 semaphore(%arg14 : memref<!tpu.dma_semaphore, #tpu.memory_space<semaphore_mem>>) src(%dma_wait3A_115 : memref<128xi32, #tpu.memory_space<hbm>>) dst(%arg7 : memref<128xi32, #tpu.memory_space<vmem>>)
        %dma_start3A_116 = arith.constant 0 : i32
        %dma_start3A_117 = arith.constant 0 : i32
        %dma_start3A_118 = tpu.memref_slice %arg2[%dma_start3A_116, %dma_start3A_117] : memref<10240x128xf32, #tpu.memory_space<hbm>> -> memref<10240x128xf32, #tpu.memory_space<hbm>>
        tpu.enqueue_indirect_dma source(%dma_start3A_118 : memref<10240x128xf32, #tpu.memory_space<hbm>>) target(%arg11 : memref<128x128xf32, #tpu.memory_space<vmem>>) offsets(%arg7 : memref<128xi32, #tpu.memory_space<vmem>>) semaphore(%arg18 : memref<!tpu.dma_semaphore, #tpu.memory_space<semaphore_mem>>)
      } else {
      }
      %dma_wait3A_90 = arith.constant 0 : i32
      %dma_wait3A_91 = arith.constant 0 : i32
      %dma_wait3A_92 = tpu.memref_slice %arg2[%dma_wait3A_90, %dma_wait3A_91] : memref<10240x128xf32, #tpu.memory_space<hbm>> -> memref<10240x128xf32, #tpu.memory_space<hbm>>
      tpu.wait_indirect_dma semaphore(%arg19 : memref<!tpu.dma_semaphore, #tpu.memory_space<semaphore_mem>>) src(%dma_wait3A_92 : memref<10240x128xf32, #tpu.memory_space<hbm>>) dst(%arg12 : memref<128x128xf32, #tpu.memory_space<vmem>>)
      %dma_wait3A_93 = arith.constant 0 : i32
      %dma_wait3A_94 = tpu.memref_slice %arg4[%dma_wait3A_93] : memref<163840xi32, #tpu.memory_space<hbm>> -> memref<128xi32, #tpu.memory_space<hbm>>
      %dma_wait3A_95 = arith.constant 0 : i32
      %dma_wait3A_96 = tpu.memref_slice %arg4[%dma_wait3A_95] : memref<163840xi32, #tpu.memory_space<hbm>> -> memref<128xi32, #tpu.memory_space<hbm>>
      tpu.wait_dma2 semaphore(%arg17 : memref<!tpu.dma_semaphore, #tpu.memory_space<semaphore_mem>>) src(%dma_wait3A_96 : memref<128xi32, #tpu.memory_space<hbm>>) dst(%arg10 : memref<128xi32, #tpu.memory_space<vmem>>)
      "tpu.region"() ({
        %run_scoped3A = tpu.sem_alloc : memref<!tpu.dma_semaphore, #tpu.memory_space<semaphore_mem>>
        %dma_start3A_98 = arith.constant 0 : i32
        %dma_start3A_99 = arith.constant 0 : i32
        %dma_start3A_100 = tpu.memref_slice %arg13[%dma_start3A_98, %dma_start3A_99] : memref<10240x128xf32, #tpu.memory_space<vmem_shared>> -> memref<10240x128xf32, #tpu.memory_space<vmem_shared>>
        tpu.enqueue_indirect_dma source(%arg12 : memref<128x128xf32, #tpu.memory_space<vmem>>) target(%dma_start3A_100 : memref<10240x128xf32, #tpu.memory_space<vmem_shared>>) offsets(%arg10 : memref<128xi32, #tpu.memory_space<vmem>>) semaphore(%run_scoped3A : memref<!tpu.dma_semaphore, #tpu.memory_space<semaphore_mem>>) {add = true}
        %dma_wait3A_101 = arith.constant 0 : i32
        %dma_wait3A_102 = arith.constant 0 : i32
        %dma_wait3A_103 = tpu.memref_slice %arg13[%dma_wait3A_101, %dma_wait3A_102] : memref<10240x128xf32, #tpu.memory_space<vmem_shared>> -> memref<10240x128xf32, #tpu.memory_space<vmem_shared>>
        tpu.wait_indirect_dma semaphore(%run_scoped3A : memref<!tpu.dma_semaphore, #tpu.memory_space<semaphore_mem>>) src(%arg12 : memref<128x128xf32, #tpu.memory_space<vmem>>) dst(%dma_wait3A_103 : memref<10240x128xf32, #tpu.memory_space<vmem_shared>>)
        tpu.yield
      }) : () -> ()
      %while3A_97 = arith.constant 0 : i32
      scf.yield %while3A_97 : i32
    }
    %while3A_49 = arith.constant 1 : i32
    %while3A_50 = scf.for %while3A_55 = %while3A_46 to %while3A_42 step %while3A_49 iter_args(%while3A_56 = %while3A_48) -> (i32)  : i32 {
      %mul3A_57 = arith.constant 2 : i32
      %mul3A_58 = arith.muli %mul3A_57, %while3A_55 : i32
      %add3A_59 = arith.constant 1 : i32
      %add3A_60 = arith.addi %mul3A_58, %add3A_59 : i32
      %mul3A_61 = arith.constant 128 : i32
      %mul3A_62 = arith.muli %add3A_60, %mul3A_61 : i32
      %add3A_63 = arith.addi %mul3A_12, %mul3A_62 : i32
      %dma_start3A_64 = tpu.memref_slice %arg3[%add3A_63] : memref<163840xi32, #tpu.memory_space<hbm>> -> memref<128xi32, #tpu.memory_space<hbm>>
      %dma_start3A_65 = tpu.memref_slice %arg3[%add3A_63] : memref<163840xi32, #tpu.memory_space<hbm>> -> memref<128xi32, #tpu.memory_space<hbm>>
      tpu.enqueue_dma source(%dma_start3A_65 : memref<128xi32, #tpu.memory_space<hbm>>) target(%arg8 : memref<128xi32, #tpu.memory_space<vmem>>) target_semaphore(%arg15 : memref<!tpu.dma_semaphore, #tpu.memory_space<semaphore_mem>>)
      %add3A_66 = arith.constant 1 : i32
      %add3A_67 = arith.addi %mul3A_58, %add3A_66 : i32
      %mul3A_68 = arith.constant 128 : i32
      %mul3A_69 = arith.muli %add3A_67, %mul3A_68 : i32
      %add3A_70 = arith.addi %mul3A_12, %mul3A_69 : i32
      %dma_start3A_71 = tpu.memref_slice %arg4[%add3A_70] : memref<163840xi32, #tpu.memory_space<hbm>> -> memref<128xi32, #tpu.memory_space<hbm>>
      %dma_start3A_72 = tpu.memref_slice %arg4[%add3A_70] : memref<163840xi32, #tpu.memory_space<hbm>> -> memref<128xi32, #tpu.memory_space<hbm>>
      tpu.enqueue_dma source(%dma_start3A_72 : memref<128xi32, #tpu.memory_space<hbm>>) target(%arg10 : memref<128xi32, #tpu.memory_space<vmem>>) target_semaphore(%arg17 : memref<!tpu.dma_semaphore, #tpu.memory_space<semaphore_mem>>)
      %dma_wait3A_73 = arith.constant 0 : i32
      %dma_wait3A_74 = tpu.memref_slice %arg3[%dma_wait3A_73] : memref<163840xi32, #tpu.memory_space<hbm>> -> memref<128xi32, #tpu.memory_space<hbm>>
      %dma_wait3A_75 = arith.constant 0 : i32
      %dma_wait3A_76 = tpu.memref_slice %arg3[%dma_wait3A_75] : memref<163840xi32, #tpu.memory_space<hbm>> -> memref<128xi32, #tpu.memory_space<hbm>>
      tpu.wait_dma2 semaphore(%arg15 : memref<!tpu.dma_semaphore, #tpu.memory_space<semaphore_mem>>) src(%dma_wait3A_76 : memref<128xi32, #tpu.memory_space<hbm>>) dst(%arg8 : memref<128xi32, #tpu.memory_space<vmem>>)
      %dma_start3A_77 = arith.constant 0 : i32
      %dma_start3A_78 = arith.constant 0 : i32
      %dma_start3A_79 = tpu.memref_slice %arg2[%dma_start3A_77, %dma_start3A_78] : memref<10240x128xf32, #tpu.memory_space<hbm>> -> memref<10240x128xf32, #tpu.memory_space<hbm>>
      tpu.enqueue_indirect_dma source(%dma_start3A_79 : memref<10240x128xf32, #tpu.memory_space<hbm>>) target(%arg12 : memref<128x128xf32, #tpu.memory_space<vmem>>) offsets(%arg8 : memref<128xi32, #tpu.memory_space<vmem>>) semaphore(%arg19 : memref<!tpu.dma_semaphore, #tpu.memory_space<semaphore_mem>>)
      %dma_wait3A_80 = arith.constant 0 : i32
      %dma_wait3A_81 = arith.constant 0 : i32
      %dma_wait3A_82 = tpu.memref_slice %arg2[%dma_wait3A_80, %dma_wait3A_81] : memref<10240x128xf32, #tpu.memory_space<hbm>> -> memref<10240x128xf32, #tpu.memory_space<hbm>>
      tpu.wait_indirect_dma semaphore(%arg18 : memref<!tpu.dma_semaphore, #tpu.memory_space<semaphore_mem>>) src(%dma_wait3A_82 : memref<10240x128xf32, #tpu.memory_space<hbm>>) dst(%arg11 : memref<128x128xf32, #tpu.memory_space<vmem>>)
      %dma_wait3A_83 = arith.constant 0 : i32
      %dma_wait3A_84 = tpu.memref_slice %arg4[%dma_wait3A_83] : memref<163840xi32, #tpu.memory_space<hbm>> -> memref<128xi32, #tpu.memory_space<hbm>>
      %dma_wait3A_85 = arith.constant 0 : i32
      %dma_wait3A_86 = tpu.memref_slice %arg4[%dma_wait3A_85] : memref<163840xi32, #tpu.memory_space<hbm>> -> memref<128xi32, #tpu.memory_space<hbm>>
      tpu.wait_dma2 semaphore(%arg16 : memref<!tpu.dma_semaphore, #tpu.memory_space<semaphore_mem>>) src(%dma_wait3A_86 : memref<128xi32, #tpu.memory_space<hbm>>) dst(%arg9 : memref<128xi32, #tpu.memory_space<vmem>>)
      "tpu.region"() ({
        %run_scoped3A = tpu.sem_alloc : memref<!tpu.dma_semaphore, #tpu.memory_space<semaphore_mem>>
        %dma_start3A_98 = arith.constant 0 : i32
        %dma_start3A_99 = arith.constant 0 : i32
        %dma_start3A_100 = tpu.memref_slice %arg13[%dma_start3A_98, %dma_start3A_99] : memref<10240x128xf32, #tpu.memory_space<vmem_shared>> -> memref<10240x128xf32, #tpu.memory_space<vmem_shared>>
        tpu.enqueue_indirect_dma source(%arg11 : memref<128x128xf32, #tpu.memory_space<vmem>>) target(%dma_start3A_100 : memref<10240x128xf32, #tpu.memory_space<vmem_shared>>) offsets(%arg9 : memref<128xi32, #tpu.memory_space<vmem>>) semaphore(%run_scoped3A : memref<!tpu.dma_semaphore, #tpu.memory_space<semaphore_mem>>) {add = true}
        %dma_wait3A_101 = arith.constant 0 : i32
        %dma_wait3A_102 = arith.constant 0 : i32
        %dma_wait3A_103 = tpu.memref_slice %arg13[%dma_wait3A_101, %dma_wait3A_102] : memref<10240x128xf32, #tpu.memory_space<vmem_shared>> -> memref<10240x128xf32, #tpu.memory_space<vmem_shared>>
        tpu.wait_indirect_dma semaphore(%run_scoped3A : memref<!tpu.dma_semaphore, #tpu.memory_space<semaphore_mem>>) src(%arg11 : memref<128x128xf32, #tpu.memory_space<vmem>>) dst(%dma_wait3A_103 : memref<10240x128xf32, #tpu.memory_space<vmem_shared>>)
        tpu.yield
      }) : () -> ()
      %add3A_87 = arith.constant 2 : i32
      %add3A_88 = arith.addi %mul3A_58, %add3A_87 : i32
      %lt3A = arith.cmpi slt, %add3A_88, %select_n3A : i32
      %convert_element_type3A = arith.extui %lt3A : i1 to i32
      %cond3A = arith.constant 0 : i32
      %cond3A_89 = arith.cmpi ne, %convert_element_type3A, %cond3A : i32
      scf.if %cond3A_89 {
        %add3A_98 = arith.constant 2 : i32
        %add3A_99 = arith.addi %mul3A_58, %add3A_98 : i32
        %mul3A_100 = arith.constant 128 : i32
        %mul3A_101 = arith.muli %add3A_99, %mul3A_100 : i32
        %add3A_102 = arith.addi %mul3A_12, %mul3A_101 : i32
        %dma_start3A_103 = tpu.memref_slice %arg3[%add3A_102] : memref<163840xi32, #tpu.memory_space<hbm>> -> memref<128xi32, #tpu.memory_space<hbm>>
        %dma_start3A_104 = tpu.memref_slice %arg3[%add3A_102] : memref<163840xi32, #tpu.memory_space<hbm>> -> memref<128xi32, #tpu.memory_space<hbm>>
        tpu.enqueue_dma source(%dma_start3A_104 : memref<128xi32, #tpu.memory_space<hbm>>) target(%arg7 : memref<128xi32, #tpu.memory_space<vmem>>) target_semaphore(%arg14 : memref<!tpu.dma_semaphore, #tpu.memory_space<semaphore_mem>>)
        %add3A_105 = arith.constant 2 : i32
        %add3A_106 = arith.addi %mul3A_58, %add3A_105 : i32
        %mul3A_107 = arith.constant 128 : i32
        %mul3A_108 = arith.muli %add3A_106, %mul3A_107 : i32
        %add3A_109 = arith.addi %mul3A_12, %mul3A_108 : i32
        %dma_start3A_110 = tpu.memref_slice %arg4[%add3A_109] : memref<163840xi32, #tpu.memory_space<hbm>> -> memref<128xi32, #tpu.memory_space<hbm>>
        %dma_start3A_111 = tpu.memref_slice %arg4[%add3A_109] : memref<163840xi32, #tpu.memory_space<hbm>> -> memref<128xi32, #tpu.memory_space<hbm>>
        tpu.enqueue_dma source(%dma_start3A_111 : memref<128xi32, #tpu.memory_space<hbm>>) target(%arg9 : memref<128xi32, #tpu.memory_space<vmem>>) target_semaphore(%arg16 : memref<!tpu.dma_semaphore, #tpu.memory_space<semaphore_mem>>)
        %dma_wait3A_112 = arith.constant 0 : i32
        %dma_wait3A_113 = tpu.memref_slice %arg3[%dma_wait3A_112] : memref<163840xi32, #tpu.memory_space<hbm>> -> memref<128xi32, #tpu.memory_space<hbm>>
        %dma_wait3A_114 = arith.constant 0 : i32
        %dma_wait3A_115 = tpu.memref_slice %arg3[%dma_wait3A_114] : memref<163840xi32, #tpu.memory_space<hbm>> -> memref<128xi32, #tpu.memory_space<hbm>>
        tpu.wait_dma2 semaphore(%arg14 : memref<!tpu.dma_semaphore, #tpu.memory_space<semaphore_mem>>) src(%dma_wait3A_115 : memref<128xi32, #tpu.memory_space<hbm>>) dst(%arg7 : memref<128xi32, #tpu.memory_space<vmem>>)
        %dma_start3A_116 = arith.constant 0 : i32
        %dma_start3A_117 = arith.constant 0 : i32
        %dma_start3A_118 = tpu.memref_slice %arg2[%dma_start3A_116, %dma_start3A_117] : memref<10240x128xf32, #tpu.memory_space<hbm>> -> memref<10240x128xf32, #tpu.memory_space<hbm>>
        tpu.enqueue_indirect_dma source(%dma_start3A_118 : memref<10240x128xf32, #tpu.memory_space<hbm>>) target(%arg11 : memref<128x128xf32, #tpu.memory_space<vmem>>) offsets(%arg7 : memref<128xi32, #tpu.memory_space<vmem>>) semaphore(%arg18 : memref<!tpu.dma_semaphore, #tpu.memory_space<semaphore_mem>>)
      } else {
      }
      %dma_wait3A_90 = arith.constant 0 : i32
      %dma_wait3A_91 = arith.constant 0 : i32
      %dma_wait3A_92 = tpu.memref_slice %arg2[%dma_wait3A_90, %dma_wait3A_91] : memref<10240x128xf32, #tpu.memory_space<hbm>> -> memref<10240x128xf32, #tpu.memory_space<hbm>>
      tpu.wait_indirect_dma semaphore(%arg19 : memref<!tpu.dma_semaphore, #tpu.memory_space<semaphore_mem>>) src(%dma_wait3A_92 : memref<10240x128xf32, #tpu.memory_space<hbm>>) dst(%arg12 : memref<128x128xf32, #tpu.memory_space<vmem>>)
      %dma_wait3A_93 = arith.constant 0 : i32
      %dma_wait3A_94 = tpu.memref_slice %arg4[%dma_wait3A_93] : memref<163840xi32, #tpu.memory_space<hbm>> -> memref<128xi32, #tpu.memory_space<hbm>>
      %dma_wait3A_95 = arith.constant 0 : i32
      %dma_wait3A_96 = tpu.memref_slice %arg4[%dma_wait3A_95] : memref<163840xi32, #tpu.memory_space<hbm>> -> memref<128xi32, #tpu.memory_space<hbm>>
      tpu.wait_dma2 semaphore(%arg17 : memref<!tpu.dma_semaphore, #tpu.memory_space<semaphore_mem>>) src(%dma_wait3A_96 : memref<128xi32, #tpu.memory_space<hbm>>) dst(%arg10 : memref<128xi32, #tpu.memory_space<vmem>>)
      "tpu.region"() ({
        %run_scoped3A = tpu.sem_alloc : memref<!tpu.dma_semaphore, #tpu.memory_space<semaphore_mem>>
        %dma_start3A_98 = arith.constant 0 : i32
        %dma_start3A_99 = arith.constant 0 : i32
        %dma_start3A_100 = tpu.memref_slice %arg13[%dma_start3A_98, %dma_start3A_99] : memref<10240x128xf32, #tpu.memory_space<vmem_shared>> -> memref<10240x128xf32, #tpu.memory_space<vmem_shared>>
        tpu.enqueue_indirect_dma source(%arg12 : memref<128x128xf32, #tpu.memory_space<vmem>>) target(%dma_start3A_100 : memref<10240x128xf32, #tpu.memory_space<vmem_shared>>) offsets(%arg10 : memref<128xi32, #tpu.memory_space<vmem>>) semaphore(%run_scoped3A : memref<!tpu.dma_semaphore, #tpu.memory_space<semaphore_mem>>) {add = true}
        %dma_wait3A_101 = arith.constant 0 : i32
        %dma_wait3A_102 = arith.constant 0 : i32
        %dma_wait3A_103 = tpu.memref_slice %arg13[%dma_wait3A_101, %dma_wait3A_102] : memref<10240x128xf32, #tpu.memory_space<vmem_shared>> -> memref<10240x128xf32, #tpu.memory_space<vmem_shared>>
        tpu.wait_indirect_dma semaphore(%run_scoped3A : memref<!tpu.dma_semaphore, #tpu.memory_space<semaphore_mem>>) src(%arg12 : memref<128x128xf32, #tpu.memory_space<vmem>>) dst(%dma_wait3A_103 : memref<10240x128xf32, #tpu.memory_space<vmem_shared>>)
        tpu.yield
      }) : () -> ()
      %while3A_97 = arith.constant 0 : i32
      scf.yield %while3A_97 : i32
    }
    %barrier3A_51 = arith.constant 0 : index
    tpu.barrier barrier_id(%barrier3A_51)
    %mul3A_52 = arith.constant 10240 : i32
    %mul3A_53 = arith.muli %arg0, %mul3A_52 : i32
    %add3A_54 = arith.addi %mul3A_53, %mul3A_0 : i32
    "tpu.region"() ({
      %run_scoped3A = tpu.sem_alloc : memref<!tpu.dma_semaphore, #tpu.memory_space<semaphore_mem>>
      %dma_start3A_55 = arith.constant 0 : i32
      %dma_start3A_56 = tpu.memref_slice %arg6[%add3A_54, %dma_start3A_55] : memref<20480x128xf32, #tpu.memory_space<hbm>> -> memref<640x128xf32, #tpu.memory_space<hbm>>
      %dma_start3A_57 = arith.constant 0 : i32
      %dma_start3A_58 = tpu.memref_slice %arg13[%mul3A_0, %dma_start3A_57] : memref<10240x128xf32, #tpu.memory_space<vmem_shared>> -> memref<640x128xf32, #tpu.memory_space<vmem_shared>>
      tpu.enqueue_dma source(%dma_start3A_58 : memref<640x128xf32, #tpu.memory_space<vmem_shared>>) target(%dma_start3A_56 : memref<640x128xf32, #tpu.memory_space<hbm>>) target_semaphore(%run_scoped3A : memref<!tpu.dma_semaphore, #tpu.memory_space<semaphore_mem>>)
      %dma_wait3A_59 = arith.constant 0 : i32
      %dma_wait3A_60 = tpu.memref_slice %arg6[%add3A_54, %dma_wait3A_59] : memref<20480x128xf32, #tpu.memory_space<hbm>> -> memref<640x128xf32, #tpu.memory_space<hbm>>
      %dma_wait3A_61 = arith.constant 0 : i32
      %dma_wait3A_62 = tpu.memref_slice %arg13[%mul3A_0, %dma_wait3A_61] : memref<10240x128xf32, #tpu.memory_space<vmem_shared>> -> memref<640x128xf32, #tpu.memory_space<vmem_shared>>
      tpu.wait_dma2 semaphore(%run_scoped3A : memref<!tpu.dma_semaphore, #tpu.memory_space<semaphore_mem>>) src(%dma_wait3A_62 : memref<640x128xf32, #tpu.memory_space<vmem_shared>>) dst(%dma_wait3A_60 : memref<640x128xf32, #tpu.memory_space<hbm>>)
      tpu.yield
    }) : () -> ()
    return
  }
}

module attributes {stable_mosaic.version = 14 : i64} {
  func.func @_tc_in_body(%arg0: i32, %arg1: memref<512x256xf32, #tpu.memory_space<vmem>>, %arg2: memref<256x128xf32, #tpu.memory_space<vmem>>, %arg3: memref<2x512x128xf32, #tpu.memory_space<vmem>>, %arg4: memref<512x128xf32, #tpu.memory_space<vmem>>) attributes {dimension_semantics = [#tpu.dimension_semantics<arbitrary>], iteration_bounds = array<i64: 20>, scalar_prefetch = 0 : i64, scratch_operands = 0 : i64, tpu.core_type = #tpu.core_type<tc>, window_params = [{transform_indices = @transform_0, window_bounds = array<i64: 512, 256>}, {pipeline_mode = #tpu.pipeline_mode<synchronous>, transform_indices = @transform_1, window_bounds = array<i64: 256, 128>}, {transform_indices = @transform_2, window_bounds = array<i64: 2, 512, 128>}, {transform_indices = @transform_3, window_bounds = array<i64: 512, 128>}]} {
    %get3A = arith.constant 0 : index
    %get3A_0 = arith.constant 0 : index
    %get3A_1 = arith.constant 0 : index
    %get3A_2 = vector.load %arg3[%get3A, %get3A_0, %get3A_1] : memref<2x512x128xf32, #tpu.memory_space<vmem>>, vector<1x512x128xf32>
    %get3A_3 = vector.shape_cast %get3A_2 : vector<1x512x128xf32> to vector<512x128xf32>
    %slice3A = vector.extract_strided_slice %get3A_3 {offsets = [0, 0], sizes = [512, 1], strides = [1, 1]} : vector<512x128xf32> to vector<512x1xf32>
    %get3A_4 = arith.constant 1 : index
    %get3A_5 = arith.constant 0 : index
    %get3A_6 = arith.constant 0 : index
    %get3A_7 = vector.load %arg3[%get3A_4, %get3A_5, %get3A_6] : memref<2x512x128xf32, #tpu.memory_space<vmem>>, vector<1x512x128xf32>
    %get3A_8 = vector.shape_cast %get3A_7 : vector<1x512x128xf32> to vector<512x128xf32>
    %slice3A_9 = vector.extract_strided_slice %get3A_8 {offsets = [0, 0], sizes = [512, 1], strides = [1, 1]} : vector<512x128xf32> to vector<512x1xf32>
    %add3A = arith.addf %slice3A, %slice3A_9 : vector<512x1xf32>
    %add3A_10 = arith.constant 1.000000e+00 : f32
    %add3A_11 = vector.broadcast %add3A_10 : f32 to vector<512x1xf32>
    %add3A_12 = arith.addf %add3A, %add3A_11 : vector<512x1xf32>
    %rsqrt3A = math.rsqrt %add3A_12 : vector<512x1xf32>
    %get3A_13 = arith.constant 0 : index
    %get3A_14 = arith.constant 0 : index
    %get3A_15 = vector.load %arg1[%get3A_13, %get3A_14] : memref<512x256xf32, #tpu.memory_space<vmem>>, vector<512x256xf32>
    %get3A_16 = arith.constant 0 : index
    %get3A_17 = arith.constant 0 : index
    %get3A_18 = vector.load %arg2[%get3A_16, %get3A_17] : memref<256x128xf32, #tpu.memory_space<vmem>>, vector<256x128xf32>
    %dot_general3A = arith.constant dense<0.000000e+00> : vector<512x128xf32>
    %dot_general3A_19 = tpu.matmul %get3A_15, %get3A_18, %dot_general3A {dimension_numbers = #tpu.dot_dimension_numbers<[1], [0], [0], [1], [0, 0, 1, 1], [], []>, transpose_lhs_hint = false} : vector<512x256xf32>, vector<256x128xf32>, vector<512x128xf32> -> vector<512x128xf32>
    %mul3A = vector.broadcast %rsqrt3A : vector<512x1xf32> to vector<512x128xf32>
    %mul3A_20 = arith.mulf %dot_general3A_19, %mul3A : vector<512x128xf32>
    %swap3A = arith.constant 0 : index
    %swap3A_21 = arith.constant 0 : index
    %swap3A_22 = vector.load %arg4[%swap3A, %swap3A_21] : memref<512x128xf32, #tpu.memory_space<vmem>>, vector<512x128xf32>
    tpu.vector_store %arg4[%swap3A, %swap3A_21], %mul3A_20 {strides = array<i32>} : memref<512x128xf32, #tpu.memory_space<vmem>>, vector<512x128xf32>,
    return
  }
  func.func @transform_0(%arg0: i32) -> (i32, i32) {
    %c0_i32 = arith.constant 0 : i32
    %c0_i32_0 = arith.constant 0 : i32
    return %arg0, %c0_i32 : i32, i32
  }
  func.func @transform_1(%arg0: i32) -> (i32, i32) {
    %c0_i32 = arith.constant 0 : i32
    %c0_i32_0 = arith.constant 0 : i32
    %c0_i32_1 = arith.constant 0 : i32
    return %c0_i32, %c0_i32_0 : i32, i32
  }
  func.func @transform_2(%arg0: i32) -> (i32, i32, i32) {
    %c0_i32 = arith.constant 0 : i32
    %c0_i32_0 = arith.constant 0 : i32
    %c0_i32_1 = arith.constant 0 : i32
    return %c0_i32, %arg0, %c0_i32_0 : i32, i32, i32
  }
  func.func @transform_3(%arg0: i32) -> (i32, i32) {
    %c0_i32 = arith.constant 0 : i32
    %c0_i32_0 = arith.constant 0 : i32
    return %arg0, %c0_i32 : i32, i32
  }
}

module attributes {stable_mosaic.version = 14 : i64} {
  func.func @_tc_mid_body(%arg0: i32, %arg1: memref<2x512x128xf32, #tpu.memory_space<vmem>>, %arg2: memref<512x128xf32, #tpu.memory_space<vmem>>, %arg3: memref<2x512x128xf32, #tpu.memory_space<vmem>>, %arg4: memref<1x128xf32, #tpu.memory_space<vmem>>, %arg5: memref<512x128xf32, #tpu.memory_space<vmem>>) attributes {dimension_semantics = [#tpu.dimension_semantics<arbitrary>], iteration_bounds = array<i64: 20>, scalar_prefetch = 0 : i64, scratch_operands = 0 : i64, tpu.core_type = #tpu.core_type<tc>, window_params = [{transform_indices = @transform_0, window_bounds = array<i64: 2, 512, 128>}, {transform_indices = @transform_1, window_bounds = array<i64: 512, 128>}, {transform_indices = @transform_2, window_bounds = array<i64: 2, 512, 128>}, {pipeline_mode = #tpu.pipeline_mode<synchronous>, transform_indices = @transform_3, window_bounds = array<i64: 1, 128>}, {transform_indices = @transform_4, window_bounds = array<i64: 512, 128>}]} {
    %get3A = arith.constant 0 : index
    %get3A_0 = arith.constant 0 : index
    %get3A_1 = arith.constant 0 : index
    %get3A_2 = vector.load %arg3[%get3A, %get3A_0, %get3A_1] : memref<2x512x128xf32, #tpu.memory_space<vmem>>, vector<1x512x128xf32>
    %get3A_3 = vector.shape_cast %get3A_2 : vector<1x512x128xf32> to vector<512x128xf32>
    %slice3A = vector.extract_strided_slice %get3A_3 {offsets = [0, 0], sizes = [512, 1], strides = [1, 1]} : vector<512x128xf32> to vector<512x1xf32>
    %get3A_4 = arith.constant 1 : index
    %get3A_5 = arith.constant 0 : index
    %get3A_6 = arith.constant 0 : index
    %get3A_7 = vector.load %arg3[%get3A_4, %get3A_5, %get3A_6] : memref<2x512x128xf32, #tpu.memory_space<vmem>>, vector<1x512x128xf32>
    %get3A_8 = vector.shape_cast %get3A_7 : vector<1x512x128xf32> to vector<512x128xf32>
    %slice3A_9 = vector.extract_strided_slice %get3A_8 {offsets = [0, 0], sizes = [512, 1], strides = [1, 1]} : vector<512x128xf32> to vector<512x1xf32>
    %add3A = arith.addf %slice3A, %slice3A_9 : vector<512x1xf32>
    %add3A_10 = arith.constant 1.000000e+00 : f32
    %add3A_11 = vector.broadcast %add3A_10 : f32 to vector<512x1xf32>
    %add3A_12 = arith.addf %add3A, %add3A_11 : vector<512x1xf32>
    %rsqrt3A = math.rsqrt %add3A_12 : vector<512x1xf32>
    %get3A_13 = arith.constant 0 : index
    %get3A_14 = arith.constant 0 : index
    %get3A_15 = arith.constant 0 : index
    %get3A_16 = vector.load %arg1[%get3A_13, %get3A_14, %get3A_15] : memref<2x512x128xf32, #tpu.memory_space<vmem>>, vector<1x512x128xf32>
    %get3A_17 = vector.shape_cast %get3A_16 : vector<1x512x128xf32> to vector<512x128xf32>
    %get3A_18 = arith.constant 1 : index
    %get3A_19 = arith.constant 0 : index
    %get3A_20 = arith.constant 0 : index
    %get3A_21 = vector.load %arg1[%get3A_18, %get3A_19, %get3A_20] : memref<2x512x128xf32, #tpu.memory_space<vmem>>, vector<1x512x128xf32>
    %get3A_22 = vector.shape_cast %get3A_21 : vector<1x512x128xf32> to vector<512x128xf32>
    %add3A_23 = arith.addf %get3A_17, %get3A_22 : vector<512x128xf32>
    %get3A_24 = arith.constant 0 : index
    %get3A_25 = arith.constant 0 : index
    %get3A_26 = vector.load %arg2[%get3A_24, %get3A_25] : memref<512x128xf32, #tpu.memory_space<vmem>>, vector<512x128xf32>
    %add3A_27 = arith.addf %add3A_23, %get3A_26 : vector<512x128xf32>
    %mul3A = vector.broadcast %rsqrt3A : vector<512x1xf32> to vector<512x128xf32>
    %mul3A_28 = arith.mulf %mul3A, %add3A_27 : vector<512x128xf32>
    %get3A_29 = arith.constant 0 : index
    %get3A_30 = arith.constant 0 : index
    %get3A_31 = vector.load %arg4[%get3A_29, %get3A_30] : memref<1x128xf32, #tpu.memory_space<vmem>>, vector<1x128xf32>
    %add3A_32 = vector.broadcast %get3A_31 : vector<1x128xf32> to vector<512x128xf32>
    %add3A_33 = arith.addf %mul3A_28, %add3A_32 : vector<512x128xf32>
    %max3A = arith.constant 0.000000e+00 : f32
    %max3A_34 = vector.broadcast %max3A : f32 to vector<512x128xf32>
    %max3A_35 = arith.maximumf %add3A_33, %max3A_34 : vector<512x128xf32>
    %mul3A_36 = vector.broadcast %rsqrt3A : vector<512x1xf32> to vector<512x128xf32>
    %mul3A_37 = arith.mulf %mul3A_36, %max3A_35 : vector<512x128xf32>
    %swap3A = arith.constant 0 : index
    %swap3A_38 = arith.constant 0 : index
    %swap3A_39 = vector.load %arg5[%swap3A, %swap3A_38] : memref<512x128xf32, #tpu.memory_space<vmem>>, vector<512x128xf32>
    tpu.vector_store %arg5[%swap3A, %swap3A_38], %mul3A_37 {strides = array<i32>} : memref<512x128xf32, #tpu.memory_space<vmem>>, vector<512x128xf32>,
    return
  }
  func.func @transform_0(%arg0: i32) -> (i32, i32, i32) {
    %c0_i32 = arith.constant 0 : i32
    %c0_i32_0 = arith.constant 0 : i32
    %c0_i32_1 = arith.constant 0 : i32
    return %c0_i32, %arg0, %c0_i32_0 : i32, i32, i32
  }
  func.func @transform_1(%arg0: i32) -> (i32, i32) {
    %c0_i32 = arith.constant 0 : i32
    %c0_i32_0 = arith.constant 0 : i32
    return %arg0, %c0_i32 : i32, i32
  }
  func.func @transform_2(%arg0: i32) -> (i32, i32, i32) {
    %c0_i32 = arith.constant 0 : i32
    %c0_i32_0 = arith.constant 0 : i32
    %c0_i32_1 = arith.constant 0 : i32
    return %c0_i32, %arg0, %c0_i32_0 : i32, i32, i32
  }
  func.func @transform_3(%arg0: i32) -> (i32, i32) {
    %c0_i32 = arith.constant 0 : i32
    %c0_i32_0 = arith.constant 0 : i32
    %c0_i32_1 = arith.constant 0 : i32
    return %c0_i32, %c0_i32_0 : i32, i32
  }
  func.func @transform_4(%arg0: i32) -> (i32, i32) {
    %c0_i32 = arith.constant 0 : i32
    %c0_i32_0 = arith.constant 0 : i32
    return %arg0, %c0_i32 : i32, i32
  }
}

module attributes {stable_mosaic.version = 14 : i64} {
  func.func @_tc_out_body(%arg0: i32, %arg1: memref<2x512x128xf32, #tpu.memory_space<vmem>>, %arg2: memref<512x128xf32, #tpu.memory_space<vmem>>, %arg3: memref<2x512x128xf32, #tpu.memory_space<vmem>>, %arg4: memref<128x256xf32, #tpu.memory_space<vmem>>, %arg5: memref<1x256xf32, #tpu.memory_space<vmem>>, %arg6: memref<512x256xf32, #tpu.memory_space<vmem>>) attributes {dimension_semantics = [#tpu.dimension_semantics<arbitrary>], iteration_bounds = array<i64: 20>, scalar_prefetch = 0 : i64, scratch_operands = 0 : i64, tpu.core_type = #tpu.core_type<tc>, window_params = [{transform_indices = @transform_0, window_bounds = array<i64: 2, 512, 128>}, {transform_indices = @transform_1, window_bounds = array<i64: 512, 128>}, {transform_indices = @transform_2, window_bounds = array<i64: 2, 512, 128>}, {pipeline_mode = #tpu.pipeline_mode<synchronous>, transform_indices = @transform_3, window_bounds = array<i64: 128, 256>}, {pipeline_mode = #tpu.pipeline_mode<synchronous>, transform_indices = @transform_4, window_bounds = array<i64: 1, 256>}, {transform_indices = @transform_5, window_bounds = array<i64: 512, 256>}]} {
    %get3A = arith.constant 0 : index
    %get3A_0 = arith.constant 0 : index
    %get3A_1 = arith.constant 0 : index
    %get3A_2 = vector.load %arg3[%get3A, %get3A_0, %get3A_1] : memref<2x512x128xf32, #tpu.memory_space<vmem>>, vector<1x512x128xf32>
    %get3A_3 = vector.shape_cast %get3A_2 : vector<1x512x128xf32> to vector<512x128xf32>
    %slice3A = vector.extract_strided_slice %get3A_3 {offsets = [0, 0], sizes = [512, 1], strides = [1, 1]} : vector<512x128xf32> to vector<512x1xf32>
    %get3A_4 = arith.constant 1 : index
    %get3A_5 = arith.constant 0 : index
    %get3A_6 = arith.constant 0 : index
    %get3A_7 = vector.load %arg3[%get3A_4, %get3A_5, %get3A_6] : memref<2x512x128xf32, #tpu.memory_space<vmem>>, vector<1x512x128xf32>
    %get3A_8 = vector.shape_cast %get3A_7 : vector<1x512x128xf32> to vector<512x128xf32>
    %slice3A_9 = vector.extract_strided_slice %get3A_8 {offsets = [0, 0], sizes = [512, 1], strides = [1, 1]} : vector<512x128xf32> to vector<512x1xf32>
    %add3A = arith.addf %slice3A, %slice3A_9 : vector<512x1xf32>
    %add3A_10 = arith.constant 1.000000e+00 : f32
    %add3A_11 = vector.broadcast %add3A_10 : f32 to vector<512x1xf32>
    %add3A_12 = arith.addf %add3A, %add3A_11 : vector<512x1xf32>
    %rsqrt3A = math.rsqrt %add3A_12 : vector<512x1xf32>
    %get3A_13 = arith.constant 0 : index
    %get3A_14 = arith.constant 0 : index
    %get3A_15 = arith.constant 0 : index
    %get3A_16 = vector.load %arg1[%get3A_13, %get3A_14, %get3A_15] : memref<2x512x128xf32, #tpu.memory_space<vmem>>, vector<1x512x128xf32>
    %get3A_17 = vector.shape_cast %get3A_16 : vector<1x512x128xf32> to vector<512x128xf32>
    %get3A_18 = arith.constant 1 : index
    %get3A_19 = arith.constant 0 : index
    %get3A_20 = arith.constant 0 : index
    %get3A_21 = vector.load %arg1[%get3A_18, %get3A_19, %get3A_20] : memref<2x512x128xf32, #tpu.memory_space<vmem>>, vector<1x512x128xf32>
    %get3A_22 = vector.shape_cast %get3A_21 : vector<1x512x128xf32> to vector<512x128xf32>
    %add3A_23 = arith.addf %get3A_17, %get3A_22 : vector<512x128xf32>
    %get3A_24 = arith.constant 0 : index
    %get3A_25 = arith.constant 0 : index
    %get3A_26 = vector.load %arg2[%get3A_24, %get3A_25] : memref<512x128xf32, #tpu.memory_space<vmem>>, vector<512x128xf32>
    %add3A_27 = arith.addf %add3A_23, %get3A_26 : vector<512x128xf32>
    %mul3A = vector.broadcast %rsqrt3A : vector<512x1xf32> to vector<512x128xf32>
    %mul3A_28 = arith.mulf %mul3A, %add3A_27 : vector<512x128xf32>
    %get3A_29 = arith.constant 0 : index
    %get3A_30 = arith.constant 0 : index
    %get3A_31 = vector.load %arg4[%get3A_29, %get3A_30] : memref<128x256xf32, #tpu.memory_space<vmem>>, vector<128x256xf32>
    %dot_general3A = arith.constant dense<0.000000e+00> : vector<512x256xf32>
    %dot_general3A_32 = tpu.matmul %mul3A_28, %get3A_31, %dot_general3A {dimension_numbers = #tpu.dot_dimension_numbers<[1], [0], [0], [1], [0, 0, 1, 1], [], []>, transpose_lhs_hint = false} : vector<512x128xf32>, vector<128x256xf32>, vector<512x256xf32> -> vector<512x256xf32>
    %get3A_33 = arith.constant 0 : index
    %get3A_34 = arith.constant 0 : index
    %get3A_35 = vector.load %arg5[%get3A_33, %get3A_34] : memref<1x256xf32, #tpu.memory_space<vmem>>, vector<1x256xf32>
    %add3A_36 = vector.broadcast %get3A_35 : vector<1x256xf32> to vector<512x256xf32>
    %add3A_37 = arith.addf %dot_general3A_32, %add3A_36 : vector<512x256xf32>
    %swap3A = arith.constant 0 : index
    %swap3A_38 = arith.constant 0 : index
    %swap3A_39 = vector.load %arg6[%swap3A, %swap3A_38] : memref<512x256xf32, #tpu.memory_space<vmem>>, vector<512x256xf32>
    tpu.vector_store %arg6[%swap3A, %swap3A_38], %add3A_37 {strides = array<i32>} : memref<512x256xf32, #tpu.memory_space<vmem>>, vector<512x256xf32>,
    return
  }
  func.func @transform_0(%arg0: i32) -> (i32, i32, i32) {
    %c0_i32 = arith.constant 0 : i32
    %c0_i32_0 = arith.constant 0 : i32
    %c0_i32_1 = arith.constant 0 : i32
    return %c0_i32, %arg0, %c0_i32_0 : i32, i32, i32
  }
  func.func @transform_1(%arg0: i32) -> (i32, i32) {
    %c0_i32 = arith.constant 0 : i32
    %c0_i32_0 = arith.constant 0 : i32
    return %arg0, %c0_i32 : i32, i32
  }
  func.func @transform_2(%arg0: i32) -> (i32, i32, i32) {
    %c0_i32 = arith.constant 0 : i32
    %c0_i32_0 = arith.constant 0 : i32
    %c0_i32_1 = arith.constant 0 : i32
    return %c0_i32, %arg0, %c0_i32_0 : i32, i32, i32
  }
  func.func @transform_3(%arg0: i32) -> (i32, i32) {
    %c0_i32 = arith.constant 0 : i32
    %c0_i32_0 = arith.constant 0 : i32
    %c0_i32_1 = arith.constant 0 : i32
    return %c0_i32, %c0_i32_0 : i32, i32
  }
  func.func @transform_4(%arg0: i32) -> (i32, i32) {
    %c0_i32 = arith.constant 0 : i32
    %c0_i32_0 = arith.constant 0 : i32
    %c0_i32_1 = arith.constant 0 : i32
    return %c0_i32, %c0_i32_0 : i32, i32
  }
  func.func @transform_5(%arg0: i32) -> (i32, i32) {
    %c0_i32 = arith.constant 0 : i32
    %c0_i32_0 = arith.constant 0 : i32
    return %arg0, %c0_i32 : i32, i32
  }
}

</mosaic_0001>

<sc_bundles>
// kernel: kernel.11.cloned.1.call-start
scs
__scs_entry_jumppad:
0x0: {  	(pc) =	sbr.rel $0x88, $3  }
0x1: {  	(tag) =	ssettag $0x0;
	lr =	simm.s32 $0x1  }
0x2: {  	[smem:$0x3F9B] =	sst lr;
	_ =	strace $0xD0000000  }
0x3: {  	_ = 	snop  }
0x4: {  	_ = 	snop  }
0x5: {  	_ = 	snop  }
0x6: {  	_ = 	snop  }
0x7: {  	_ = 	snop  }
__scs_overlays_trampoline_lowered:
0x8: {  	[smem:$0x3FAA] =	sst s0  }
0x9: {  	[smem:$0x3FAB] =	sst s1  }
0xa: {  	[smem:$0x3FAC] =	sst s2  }
0xb: {  	[smem:$0x3FAD] =	sst s3  }
0xc: {  	[smem:$0x3FAE] =	sst s4  }
0xd: {  	[smem:$0x3FAF] =	sst s5  }
0xe: {  	[smem:$0x3FB0] =	sst s6  }
0xf: {  	[smem:$0x3FB1] =	sst s7  }
0x10: {  	[smem:$0x3FB2] =	sst s8  }
0x11: {  	[smem:$0x3FB3] =	sst s9;
	s0 =	simm.s32 @!p0 $0x0  }
0x12: {  	s1 =	sld [smem:$0x3F99];
	s0 =	simm.s32 @p0 $0x1  }
0x13: {  	[smem:$0x3FB4] =	sst s0;
	s0 =	simm.s32 @!p1 $0x0  }
0x14: {  	s2 =	sld [smem:$0x3F98];
	s0 =	simm.s32 @p1 $0x1  }
0x15: {  	[smem:$0x3FB5] =	sst s0;
	s0 =	simm.s32 @!p2 $0x0  }
0x16: {  	s3 =	sld [smem:$0x3FDB];
	s0 =	simm.s32 @p2 $0x1  }
0x17: {  	s4 =	simm.s32 $0x1BF5;
	[smem:$0x3FB7] =	sst s0  }
0x18: {  	s0 =	sld [smem:$0x3F9A];
	_ =	swait.ge [sflag:s4], $0x0  }
0x19: {  	s7 =	sld [smem:$0x3F9B]  }
0x1a: {  	s8 =	sadd.s32 $0xFFFFE003, lr  }
0x1b: {  	s9 =	sadd.s32 $0xFFFFFEF7, lr;
	s5 =	simm.s32 $0xFFFFFFFF;
	p2 =	slt.u32 s8, $0xFFFFF086  }
0x1c: {  	p1 =	slt.u32 s9, $0xF7A;
	s5 =	simm.s32 @!p2 $0x0  }
0x1d: {  	s5 =	simm.s32 @p1 $0x1;
	p0 =	seq.s32 s7, s2  }
0x1e: {  	s7 =	smul.u32 @!p0 $0xF7A, s2;
	p2 =	seq.s32 @!p0 s5, $0x0  }
0x1f: {  	s9 =	smul.u32 $0xF7A, s1;
	s8 =	simm.s32 @!p0 $0x1BF5;
	p2 =	por !p2, p0  }
0x20: {  	[sflag:s8] =	ssyncset.s32 @!p0 $0xFFFFF086;
	s6 =	sadd.s32 @!p0 s3, s7;
	s7 =	simm.s32 @!p0 $0x108  }
0x21: {  	s3 =	sadd.s32 s3, s9;
	s6 =	sadd.s32 @!p0 $0x88, s6;
	s7 =	simm.s32 @p2 $0x1082  }
0x22: {  	[simem:s7], [sflag:s8] =	dma.local @!p0 [hbm:s6], $0xF7A  }
0x23: {  	s9 =	sor.u32 $0xD0000000, s2;
	s6 =	simm.s32 $0x108;
	_ =	swait.ge @!p0 [sflag:s8], $0x0  }
0x24: {  	s3 =	sadd.s32 $0x88, s3;
	s6 =	simm.s32 @!p1 $0x1082;
	[sflag:s4] =	ssyncset.s32 $0xFFFFF086  }
0x25: {  	[simem:s6], [sflag:s4] =	dma.local [hbm:s3], $0xF7A  }
0x26: {  	[smem:$0x3F9B] =	sst s1;
	(tag) =	ssettag s2;
	_ =	strace s9  }
0x27: {  	s1 =	sld [smem:$0x3FAB]  }
0x28: {  	s2 =	sld [smem:$0x3FAC]  }
0x29: {  	s4 =	sld [smem:$0x3FAE]  }
0x2a: {  	p0 =	seq.s32 s5, $0x0;
	s5 =	sld [smem:$0x3FAF]  }
0x2b: {  	s6 =	sld [smem:$0x3FB0]  }
0x2c: {  	s7 =	sld [smem:$0x3FB1]  }
0x2d: {  	s3 =	simm.s32 $0x108;
	s8 =	sld [smem:$0x3FB2]  }
0x2e: {  	s3 =	simm.s32 @!p0 $0x1082;
	s9 =	sld [smem:$0x3FB3]  }
0x2f: {  	lr =	sadd.s32 s0, s3;
	s0 =	sld [smem:$0x3FAA]  }
0x30: {  	s3 =	sld [smem:$0x3FAD]  }
0x31: {  	[smem:$0x3FB6] =	sst s10  }
0x32: {  	s10 =	sld [smem:$0x3FB4];
	_ =	sdelay $0x3  }
0x33: {  	p0 =	seq.s32 s10, $0x1;
	s10 =	sld [smem:$0x3FB6];
	_ =	sdelay $0x3  }
0x34: {  	[smem:$0x3FB6] =	sst s10  }
0x35: {  	s10 =	sld [smem:$0x3FB5];
	_ =	sdelay $0x3  }
0x36: {  	p1 =	seq.s32 s10, $0x1;
	s10 =	sld [smem:$0x3FB6];
	_ =	sdelay $0x3  }
0x37: {  	[smem:$0x3FB6] =	sst s10  }
0x38: {  	s10 =	sld [smem:$0x3FB7]  }
0x39: {  	_ = 	snop;
	(pc) =	sbr.ind lr, $3  }
0x3a: {  	_ = 	snop  }
0x3b: {  	_ = 	snop  }
0x3c: {  	p2 =	seq.s32 s10, $0x1;
	s10 =	sld [smem:$0x3FB6]  }
0x3d: {  	_ =	shalt  }
0x3e: {  	_ =	shalt  }
0x3f: {  	_ =	shalt  }
0x40: {  	_ =	shalt  }
0x41: {  	_ =	shalt  }
0x42: {  	_ =	shalt  }
0x43: {  	_ =	shalt  }
0x44: {  	_ =	shalt  }
0x45: {  	_ =	shalt  }
0x46: {  	_ =	shalt  }
0x47: {  	_ =	shalt  }
0x48: {  	_ =	shalt  }
0x49: {  	_ =	shalt  }
0x4a: {  	_ =	shalt  }
0x4b: {  	_ =	shalt  }
0x4c: {  	_ =	shalt  }
0x4d: {  	_ =	shalt  }
0x4e: {  	_ =	shalt  }
0x4f: {  	_ =	shalt  }
0x50: {  	_ =	shalt  }
0x51: {  	_ =	shalt  }
0x52: {  	_ =	shalt  }
0x53: {  	_ =	shalt  }
0x54: {  	_ =	shalt  }
0x55: {  	_ =	shalt  }
0x56: {  	_ =	shalt  }
0x57: {  	_ =	shalt  }
0x58: {  	_ =	shalt  }
0x59: {  	_ =	shalt  }
0x5a: {  	_ =	shalt  }
0x5b: {  	_ =	shalt  }
0x5c: {  	_ =	shalt  }
0x5d: {  	_ =	shalt  }
0x5e: {  	_ =	shalt  }
0x5f: {  	_ =	shalt  }
0x60: {  	_ =	shalt  }
0x61: {  	_ =	shalt  }
0x62: {  	_ =	shalt  }
0x63: {  	_ =	shalt  }
0x64: {  	_ =	shalt  }
0x65: {  	_ =	shalt  }
0x66: {  	_ =	shalt  }
0x67: {  	_ =	shalt  }
0x68: {  	_ =	shalt  }
0x69: {  	_ =	shalt  }
0x6a: {  	_ =	shalt  }
0x6b: {  	_ =	shalt  }
0x6c: {  	_ =	shalt  }
0x6d: {  	_ =	shalt  }
0x6e: {  	_ =	shalt  }
0x6f: {  	_ =	shalt  }
0x70: {  	_ =	shalt  }
0x71: {  	_ =	shalt  }
0x72: {  	_ =	shalt  }
0x73: {  	_ =	shalt  }
0x74: {  	_ =	shalt  }
0x75: {  	_ =	shalt  }
0x76: {  	_ =	shalt  }
0x77: {  	_ =	shalt  }
0x78: {  	_ =	shalt  }
0x79: {  	_ =	shalt  }
0x7a: {  	_ =	shalt  }
0x7b: {  	_ =	shalt  }
0x7c: {  	_ =	shalt  }
0x7d: {  	_ =	shalt  }
0x7e: {  	_ =	shalt  }
0x7f: {  	_ =	shalt  }
0x80: {  	_ =	shalt  }
0x81: {  	_ =	shalt  }
0x82: {  	_ =	shalt  }
0x83: {  	_ =	shalt  }
0x84: {  	_ =	shalt  }
0x85: {  	_ =	shalt  }
0x86: {  	_ =	shalt  }
0x87: {  	_ =	shalt  }
.Lfunc_end0:
.L_simem_size_0:
called_computation.1_lowered:
.L_overlay_start_0:
0x88: {  	s2 =	sld [smem:$0x3FD9]  }
0x89: {  	s3 =	sld [smem:$0x3FFE];
	_ =	sdelay $0x1  }
0x8a: {  	s1 =	srdreg.scid  }
0x8b: {  	s0 =	sand.u32 $0x1, s1  }
0x8c: {  	s17 =	sshll.u32 s0, $0xA;
	s2 =	sadd.s32 s3, s2  }
0x8d: {  	s2 =	sadd.s32 s2, s17  }
0x8e: {  	[smem:$0x3FC2] =	sst s2  }
0x8f: {  	_ = 	snop  }
0x90: {  	s2 =	sld [smem:$0x3FD0];
	(tm) =	ssettm $0x1  }
0x91: {  	s18 =	sld [smem:$0x3FFB];
	_ =	sdelay $0x3  }
0x92: {  	_ =	strace s18  }
0x93: {  	s3 =	sld [smem:$0x3FFC];
	_ =	sdelay $0x3  }
0x94: {  	_ =	strace s3  }
0x95: {  	s3 =	sld [smem:$0x3FFD];
	_ =	sdelay $0x3  }
0x96: {  	_ =	strace s3  }
0x97: {  	_ =	strace $0x8FFFFFFF  }
0x98: {  	s19 =	sld [smem:$0x3FDB];
	_ =	sdelay $0x1  }
0x99: {  	s4 =	simm.s32 $_scs_section_size  }
0x9a: {  	s5 =	simm.s32 $_size__tile_overlayer_lowered;
	s6 =	simm.s32 $_tile_overlayer_lowered  }
0x9b: {  	s22 =	simm.s32 $0x1BFF;
	s21 =	sshll.u32 s6, $0x1;
	s3 =	sadd.s32 s4, s19  }
0x9c: {  	s7 =	simm.s32 $0x0;
	s20 =	sshll.u32 s5, $0x1;
	s5 =	sadd.s32 s21, s3  }
0x9d: {  	[timem:s7], [sflag:s22] =	dma.local [hbm:s5], s20  }
0x9e: {  	_ =	swait.ge [sflag:s22], s20  }
0x9f: {  	s4 =	ssub.s32 $0x0, s20;
	[sflag:s22] =	ssyncset.done $0x0  }
0xa0: {  	[sflag:s22] =	ssyncadd.s32 s4;
	_ =	sdelay $0x1  }
0xa1: {  	s23 =	simm.s32 $0x1B8B  }
0xa2: {  	_ =	swait.ge [sflag:s23], $0x1  }
0xa3: {  	[sflag:s23] =	ssyncset.done $0x0  }
0xa4: {  	s25 =	simm.s32 $0x1B8E;
	s24 =	sld [smem:$0x3FFE];
	[sflag:s23] =	ssyncadd.s32 $0xFFFFFFFF  }
0xa5: {  	s26 =	simm.s32 $execute0_lowered;
	[smem:$0x3FD2] =	sst s25  }
0xa6: {  	s5 =	sshll.u32 s26, $0x1;
	_ =	strace $0x80000049;
	[dreg:$0x1] =	wrdreg $0xFFFFFFFF  }
0xa7: {  	s28 =	simm.s32 $_size_execute0_lowered;
	s3 =	sadd.s32 s3, s5;
	[dreg:$0x0] =	wrdreg $0x0  }
0xa8: {  	s5 =	sshll.u32 s28, $0x1;
	[dreg:$0x2] =	wrdreg s3  }
0xa9: {  	[dreg:$0x3] =	wrdreg s5  }
0xaa: {  	[dreg:$0x4] =	wrdreg $0xC0  }
0xab: {  	_ =	task [dreg:s7], $0x5FFFF  }
0xac: {  	[dreg:$0x1] =	wrdreg $0xFFFFFFFF  }
0xad: {  	[dreg:$0x0] =	wrdreg $0x60  }
0xae: {  	[dreg:$0x2] =	wrdreg s2  }
0xaf: {  	[dreg:$0x3] =	wrdreg s24  }
0xb0: {  	[dreg:$0x4] =	wrdreg $0x82000  }
0xb1: {  	[dreg:$0x5] =	wrdreg $0x9  }
0xb2: {  	_ =	task.clear_ibuf [dreg:s7], $0x6FFFF;
	_ =	strace $0x90000049  }
0xb3: {  	s29 =	simm.s32 $0x9;
	_ =	strace $0x8000004B  }
0xb4: {  	_ =	swait.ge [sflag:s29], $0x1  }
0xb5: {  	[sflag:s29] =	ssyncadd.s32 $0xFFFFFFFF  }
0xb6: {  	_ =	strace $0x9000004B  }
0xb7: {  	_ =	sfence  }
0xb8: {  	s30 =	sld [smem:$0x0];
	_ =	sdelay $0x2  }
0xb9: {  	s31 =	sshll.u32 s1, $0xD;
	s1 =	sshrl.u32 s1, $0x2  }
0xba: {  	s3 =	sand.u32 $0x4000, s31;
	s1 =	sadd.s32 s1, s30  }
0xbb: {  	s0 =	sor.u32 s3, s0;
	s1 =	sshll.u32 s1, $0x11  }
0xbc: {  	s0 =	sor.u32 s1, s0  }
0xbd: {  	s0 =	sadd.s32 $0x8F2B, s0  }
0xbe: {  	[sflag:s0] =	ssyncadd.remote.s32 $0x1  }
0xbf: {  	_ =	sfence.sel $0xFFFF  }
0xc0: {  	[dreg:$0x0] =	wrdreg $0xFFFFFFFF;
	(pc) =	sbr.abs _section_cstart, $3  }
0xc1: {  	[dreg:$0x1] =	wrdreg $0xFFFFFFFF  }
0xc2: {  	_ =	task.clear_ibuf [dreg:s7], $0x2FFFF;
	_ =	strace $0x9FFFFFFF  }
0xc3: {  	(tm) =	ssettm $0x7FFFFFFF  }
tec
execute0_lowered:
.L_overlay_start_1:
0x0: {  	(tag) =	ssettag $0x1  }
0x1: {  	s2 =	rddreg [dreg:$0x0]  }
0x2: {  	s0 =	rddreg [dreg:$0x1]  }
0x3: {  	s3 =	rddreg [dreg:$0x2]  }
0x4: {  	s9 =	stileid.u32;
	s1 =	srdreg.scid  }
0x5: {  	s4 =	simm.s32 $0x0;
	s16 =	simm.s32 $0x7;
	s17 =	simm.s32 $0x100  }
0x6: {  	s18 =	simm.s32 $0x1;
	s19 =	simm.s32 $0x80;
	s20 =	simm.s32 $0x200  }
0x7: {  	s21 =	simm.s32 $0x180;
	s28 =	simm.s32 $0x4;
	s5 =	smul.u32 $0x14, s9  }
0x8: {  	s29 =	simm.s32 $0x0;
	s1 =	sand.u32 $0x1, s1;
	s6 =	smul.u32 $0x3C, s9  }
0x9: {  	[smem:$0x7FF] =	sst s4;
	s22 =	smul.u32 $0x2800, s9;
	s23 =	sadd.s32 $0x7200, s0  }
0xa: {  	s8 =	smul.u32 $0x50000, s9;
	s26 =	sshll.u32 s9, $0x6;
	p0 =	seq.s32 s1, $0x0  }
0xb: {  	_ =	strace $0x8000004A;
	s7 =	smul.u32 $0x28000, s1;
	[dreg:$0x4] =	wrdreg s23  }
0xc: {  	s1 =	ssub.s32 $0x2, s1;
	s23 =	simm.s32 $0x4200;
	s5 =	sadd.s32 $0x3C0, s5  }
0xd: {  	s24 =	sshrl.u32 s1, $0x1;
	s25 =	sshrl.u32 s8, $0x2;
	s5 =	smov.u32 @p0 s6  }
0xe: {  	s6 =	sadd.s32 s22, s7;
	s1 =	ssub.s32 s1, s24;
	s15 =	sadd.s32 s25, s3  }
0xf: {  	s7 =	sor.u32 $0x1C07, s26;
	s22 =	simm.s32 $0x2;
	s24 =	simm.s32 $0x5  }
0x10: {  	s25 =	simm.s32 $0x3;
	s26 =	simm.s32 $0x6;
	s5 =	sshll.u32 s5, $0x4  }
0x11: {  	s14 =	sadd.s32 s5, s0;
	s0 =	sadd.s32 s6, s0;
	s6 =	simm.s32 $0x3C  }
0x12: {  	s11 =	smax.u32 s1, $0x1;
	s15 =	sshrl.u32 s15, $0x3;
	s6 =	simm.s32 @!p0 $0x14  }
0x13: {  	s30 =	sadd.s32 $0x59A00, s14;
	s31 =	sadd.s32 $0x2200, s14;
	s10 =	sadd.s32 $0x5EA00, s0  }
0x14: {  	s13 =	sadd.s32 $0x2220, s14;
	[dreg:$0x5] =	wrdreg s30;
	s12 =	sshrl.u32 s6, $0x1  }
0x15: {  	s0 =	sadd.s32 $0x59A20, s14;
	[dreg:$0x6] =	wrdreg s31;
	s12 =	sadd.s32 $0xFFFFFFFF, s12  }
.LBB2_1:
0x16: {  	s1 =	rddreg [dreg:$0x4]  }
0x17: {  	[spmem:s15], [sflag:s7] =	dma.local [hbm:s1], $0x2800  }
0x18: {  	_ =	swait.ge [sflag:s16], $0x2800  }
0x19: {  	[sflag:s16] =	ssyncset.done $0x0  }
0x1a: {  	s9 =	rddreg [dreg:$0x5];
	[sflag:s16] =	ssyncadd.s32 $0xFFFFD800  }
0x1b: {  	[tilespmem:s4], [sflag:$0x1] =	stream.linear.gather [hbm4b:s9+s4], $0x80, $0x38;
	[tilespmem:$0x1C200] =	vst v63  }
0x1c: {  	s1 =	sadd.s32 $0xFFFFFFFF, s12;
	s14 =	rddreg [dreg:$0x6]  }
0x1d: {  	[tilespmem:s17], [sflag:$0x3] =	stream.linear.gather [hbm4b:s14+s4], $0x80, $0x38;
	[tilespmem:$0x1C200] =	vst v63  }
0x1e: {  	p1 =	sne.s32 s1, $0x0;
	_ =	swait.ge [sflag:s18], $0x80  }
.Ltmp0:
0x1f: {  	[sflag:s18] =	ssyncset.done $0x0;
	(pc) =	sbr.rel @!p1 .LBB2_4-.Ltmp0, $4  }
0x20: {  	[sflag:s18] =	ssyncadd.s32 $0xFFFFFF80  }
0x21: {  	[tilespmem:s20], [sflag:$0x5] =	stream.indirect.gather [hbm4b:s2+s19], $0x80, s4, s19, $0xb8;
	[tilespmem:$0x1C200] =	vst v63  }
0x22: {  	p0 =	por $0x0, $0x0;
	[bflag:$0x0] =	sbarrier.arrive $0xFFFF  }
0x23: {  	s31 =	smov.u32 s13;
	s30 =	simm.s32 $0x2;
	s14 =	smov.u32 s0  }
0x24: {  	s14 =	sadd.s32 $0xFFFFFFF0, s0  }
0x25: {  	[tilespmem:s19], [sflag:$0x2] =	stream.linear.gather [hbm4b:s14+s4], $0x80, $0x38;
	[tilespmem:$0x1C200] =	vst v63  }
0x26: {  	s9 =	sadd.s32 $0xFFFFFFF0, s13  }
0x27: {  	[tilespmem:s21], [sflag:$0x4] =	stream.linear.gather [hbm4b:s9+s4], $0x80, $0x38;
	[tilespmem:$0x1C200] =	vst v63  }
0x28: {  	_ =	swait.ge [sflag:s22], $0x80  }
0x29: {  	[sflag:s22] =	ssyncset.done $0x0  }
0x2a: {  	[sflag:s22] =	ssyncadd.s32 $0xFFFFFF80  }
0x2b: {  	[tilespmem:s23], [sflag:$0x6] =	stream.indirect.gather [hbm4b:s2+s19], $0x80, s19, s19, $0xb8;
	[tilespmem:$0x1C200] =	vst v63  }
0x2c: {  	_ =	swait.ge [sflag:s24], $0x4000  }
0x2d: {  	[sflag:s24] =	ssyncset.done $0x0  }
0x2e: {  	[sflag:s24] =	ssyncadd.s32 $0xFFFFC000  }
0x2f: {  	_ =	swait.ge [sflag:s25], $0x80  }
0x30: {  	[sflag:s25] =	ssyncset.done $0x0  }
0x31: {  	[sflag:s25] =	ssyncadd.s32 $0xFFFFFF80  }
0x32: {  	[spmem:s3] =	stream.indirect.scatter.add.f32 [tilespmem:s20], [sflag:$0x7], $0x80, s17, s19, $0xb8;
	[tilespmem:$0x1C200] =	vst v63  }
0x33: {  	_ =	swait.ge [sflag:s16], $0x4000  }
0x34: {  	p0 =	sle.u32 s6, $0x2;
	[sflag:s16] =	ssyncset.done $0x0  }
0x35: {  	s14 =	simm.s32 @!p0 $0x0;
	[sflag:s16] =	ssyncadd.s32 $0xFFFFC000  }
0x36: {  	[tilespmem:s14], [sflag:$0x1] =	stream.linear.gather @!p0 [hbm4b:s0+s14], $0x80, $0x38;
	[tilespmem:$0x1C200] =	vst v63  }
0x37: {  	s30 =	simm.s32 @!p0 $0x100;
	s31 =	simm.s32 @!p0 $0x1  }
0x38: {  	[tilespmem:s30], [sflag:$0x3] =	stream.linear.gather @!p0 [hbm4b:s13+s14], $0x80, $0x38;
	[tilespmem:$0x1C200] =	vst v63  }
0x39: {  	_ =	swait.ge @!p0 [sflag:s31], $0x80  }
0x3a: {  	[sflag:s31] =	ssyncset.done @!p0 $0x0  }
0x3b: {  	s30 =	simm.s32 @!p0 $0x80;
	[sflag:s31] =	ssyncadd.s32 @!p0 $0xFFFFFF80;
	s31 =	simm.s32 @!p0 $0x200  }
0x3c: {  	[tilespmem:s31], [sflag:$0x5] =	stream.indirect.gather @!p0 [hbm4b:s2+s30], $0x80, s14, s30, $0xb8;
	[tilespmem:$0x1C200] =	vst v63  }
0x3d: {  	_ =	swait.ge [sflag:s26], $0x4000  }
0x3e: {  	[sflag:s26] =	ssyncset.done $0x0  }
0x3f: {  	s1 =	sadd.s32 $0xFFFFFFFF, s1;
	[sflag:s26] =	ssyncadd.s32 $0xFFFFC000  }
0x40: {  	p1 =	sne.s32 s1, $0x0;
	_ =	swait.ge [sflag:s28], $0x80  }
.Ltmp1:
0x41: {  	[sflag:s28] =	ssyncset.done $0x0;
	(pc) =	sbr.rel @!p1 .LBB2_4-.Ltmp1, $4  }
0x42: {  	[sflag:s28] =	ssyncadd.s32 $0xFFFFFF80  }
0x43: {  	[spmem:s3] =	stream.indirect.scatter.add.f32 [tilespmem:s23], [sflag:$0x7], $0x80, s21, s19, $0xb8;
	[tilespmem:$0x1C200] =	vst v63  }
0x44: {  	s30 =	simm.s32 $0x4;
	s31 =	sadd.s32 $0x20, s13;
	_ =	swait.ge [sflag:s16], $0x4000  }
0x45: {  	s14 =	sadd.s32 $0x20, s0;
	p0 =	por $0x1, $0x1;
	[sflag:s16] =	ssyncset.done $0x0  }
.LBB2_3:
0x46: {  	s1 =	sadd.s32 $0xFFFFFFFF, s1;
	s5 =	sadd.s32 $0xFFFFFFF0, s14;
	[sflag:s16] =	ssyncadd.s32 $0xFFFFC000  }
0x47: {  	[tilespmem:s19], [sflag:$0x2] =	stream.linear.gather [hbm4b:s5+s4], $0x80, $0x38;
	[tilespmem:$0x1C200] =	vst v63  }
0x48: {  	p1 =	sne.s32 s1, $0x0;
	s5 =	sadd.s32 $0xFFFFFFF0, s31  }
0x49: {  	[tilespmem:s21], [sflag:$0x4] =	stream.linear.gather [hbm4b:s5+s4], $0x80, $0x38;
	[tilespmem:$0x1C200] =	vst v63  }
0x4a: {  	_ =	swait.ge [sflag:s22], $0x80  }
0x4b: {  	[sflag:s22] =	ssyncset.done $0x0  }
0x4c: {  	[sflag:s22] =	ssyncadd.s32 $0xFFFFFF80  }
0x4d: {  	[tilespmem:s23], [sflag:$0x6] =	stream.indirect.gather [hbm4b:s2+s19], $0x80, s19, s19, $0xb8;
	[tilespmem:$0x1C200] =	vst v63  }
0x4e: {  	_ =	swait.ge [sflag:s24], $0x4000  }
0x4f: {  	[sflag:s24] =	ssyncset.done $0x0  }
0x50: {  	[sflag:s24] =	ssyncadd.s32 $0xFFFFC000  }
0x51: {  	_ =	swait.ge [sflag:s25], $0x80  }
0x52: {  	[sflag:s25] =	ssyncset.done $0x0  }
0x53: {  	[sflag:s25] =	ssyncadd.s32 $0xFFFFFF80  }
0x54: {  	[spmem:s3] =	stream.indirect.scatter.add.f32 [tilespmem:s20], [sflag:$0x7], $0x80, s17, s19, $0xb8;
	[tilespmem:$0x1C200] =	vst v63  }
0x55: {  	_ =	swait.ge [sflag:s16], $0x4000  }
0x56: {  	p2 =	sge.u32 s30, s6;
	[sflag:s16] =	ssyncset.done $0x0  }
0x57: {  	s5 =	simm.s32 @!p2 $0x0;
	[sflag:s16] =	ssyncadd.s32 $0xFFFFC000  }
0x58: {  	[tilespmem:s5], [sflag:$0x1] =	stream.linear.gather @!p2 [hbm4b:s14+s5], $0x80, $0x38;
	[tilespmem:$0x1C200] =	vst v63  }
0x59: {  	s8 =	simm.s32 @!p2 $0x100;
	s9 =	simm.s32 @!p2 $0x1  }
0x5a: {  	[tilespmem:s8], [sflag:$0x3] =	stream.linear.gather @!p2 [hbm4b:s31+s5], $0x80, $0x38;
	[tilespmem:$0x1C200] =	vst v63  }
0x5b: {  	_ =	swait.ge @!p2 [sflag:s9], $0x80  }
0x5c: {  	[sflag:s9] =	ssyncset.done @!p2 $0x0  }
0x5d: {  	s8 =	simm.s32 @!p2 $0x80;
	[sflag:s9] =	ssyncadd.s32 @!p2 $0xFFFFFF80;
	s9 =	simm.s32 @!p2 $0x200  }
0x5e: {  	[tilespmem:s9], [sflag:$0x5] =	stream.indirect.gather @!p2 [hbm4b:s2+s8], $0x80, s5, s8, $0xb8;
	[tilespmem:$0x1C200] =	vst v63  }
0x5f: {  	_ =	swait.ge [sflag:s26], $0x4000  }
0x60: {  	[sflag:s26] =	ssyncset.done $0x0  }
0x61: {  	[sflag:s26] =	ssyncadd.s32 $0xFFFFC000  }
0x62: {  	_ =	swait.ge [sflag:s28], $0x80  }
.Ltmp2:
0x63: {  	[sflag:s28] =	ssyncset.done $0x0;
	(pc) =	sbr.rel @p1 .LBB2_3-.Ltmp2, $4  }
0x64: {  	[sflag:s28] =	ssyncadd.s32 $0xFFFFFF80  }
0x65: {  	[spmem:s3] =	stream.indirect.scatter.add.f32 [tilespmem:s23], [sflag:$0x7], $0x80, s21, s19, $0xb8;
	[tilespmem:$0x1C200] =	vst v63  }
0x66: {  	s30 =	sadd.s32 $0x2, s30;
	_ =	swait.ge [sflag:s16], $0x4000  }
0x67: {  	s14 =	sadd.s32 $0x20, s14;
	s31 =	sadd.s32 $0x20, s31;
	[sflag:s16] =	ssyncset.done $0x0  }
.LBB2_4:
0x68: {  	s1 =	sadd.s32 $0xFFFFFFF0, s14;
	[sflag:s16] =	ssyncadd.s32 @p0 $0xFFFFC000  }
0x69: {  	[tilespmem:s19], [sflag:$0x2] =	stream.linear.gather [hbm4b:s1+s4], $0x80, $0x38;
	[tilespmem:$0x1C200] =	vst v63  }
0x6a: {  	s8 =	sadd.s32 $0xFFFFFFF0, s31  }
0x6b: {  	[tilespmem:s21], [sflag:$0x4] =	stream.linear.gather [hbm4b:s8+s4], $0x80, $0x38;
	[tilespmem:$0x1C200] =	vst v63  }
0x6c: {  	_ =	swait.ge [sflag:s22], $0x80  }
0x6d: {  	[sflag:s22] =	ssyncset.done $0x0  }
0x6e: {  	[sflag:s22] =	ssyncadd.s32 $0xFFFFFF80  }
0x6f: {  	[tilespmem:s23], [sflag:$0x6] =	stream.indirect.gather [hbm4b:s2+s19], $0x80, s19, s19, $0xb8;
	[tilespmem:$0x1C200] =	vst v63  }
0x70: {  	_ =	swait.ge [sflag:s24], $0x4000  }
0x71: {  	[sflag:s24] =	ssyncset.done $0x0  }
0x72: {  	[sflag:s24] =	ssyncadd.s32 $0xFFFFC000  }
0x73: {  	_ =	swait.ge [sflag:s25], $0x80  }
0x74: {  	[sflag:s25] =	ssyncset.done $0x0  }
0x75: {  	[sflag:s25] =	ssyncadd.s32 $0xFFFFFF80  }
0x76: {  	[spmem:s3] =	stream.indirect.scatter.add.f32 [tilespmem:s20], [sflag:$0x7], $0x80, s17, s19, $0xb8;
	[tilespmem:$0x1C200] =	vst v63  }
0x77: {  	_ =	swait.ge [sflag:s16], $0x4000  }
0x78: {  	p0 =	sge.u32 s30, s6;
	[sflag:s16] =	ssyncset.done $0x0  }
0x79: {  	s1 =	simm.s32 @!p0 $0x0;
	[sflag:s16] =	ssyncadd.s32 $0xFFFFC000  }
0x7a: {  	[tilespmem:s1], [sflag:$0x1] =	stream.linear.gather @!p0 [hbm4b:s14+s1], $0x80, $0x38;
	[tilespmem:$0x1C200] =	vst v63  }
0x7b: {  	s5 =	simm.s32 @!p0 $0x100;
	s8 =	simm.s32 @!p0 $0x1  }
0x7c: {  	[tilespmem:s5], [sflag:$0x3] =	stream.linear.gather @!p0 [hbm4b:s31+s1], $0x80, $0x38;
	[tilespmem:$0x1C200] =	vst v63  }
0x7d: {  	_ =	swait.ge @!p0 [sflag:s8], $0x80  }
0x7e: {  	[sflag:s8] =	ssyncset.done @!p0 $0x0  }
0x7f: {  	s5 =	simm.s32 @!p0 $0x80;
	[sflag:s8] =	ssyncadd.s32 @!p0 $0xFFFFFF80;
	s8 =	simm.s32 @!p0 $0x200  }
0x80: {  	[tilespmem:s8], [sflag:$0x5] =	stream.indirect.gather @!p0 [hbm4b:s2+s5], $0x80, s1, s5, $0xb8;
	[tilespmem:$0x1C200] =	vst v63  }
0x81: {  	_ =	swait.ge [sflag:s26], $0x4000  }
0x82: {  	[sflag:s26] =	ssyncset.done $0x0  }
0x83: {  	[sflag:s26] =	ssyncadd.s32 $0xFFFFC000  }
0x84: {  	_ =	swait.ge [sflag:s28], $0x80  }
0x85: {  	[sflag:s28] =	ssyncset.done $0x0  }
0x86: {  	[sflag:s28] =	ssyncadd.s32 $0xFFFFFF80  }
0x87: {  	[spmem:s3] =	stream.indirect.scatter.add.f32 [tilespmem:s23], [sflag:$0x7], $0x80, s21, s19, $0xb8;
	[tilespmem:$0x1C200] =	vst v63  }
0x88: {  	_ =	swait.ge [sflag:s16], $0x4000  }
0x89: {  	s1 =	sadd.s32 $0x20, s14;
	[sflag:s16] =	ssyncset.done $0x0  }
0x8a: {  	s5 =	sadd.s32 $0x20, s31;
	s9 =	sadd.s32 $0xFFFFFFF0, s1;
	[sflag:s16] =	ssyncadd.s32 $0xFFFFC000  }
0x8b: {  	[tilespmem:s19], [sflag:$0x2] =	stream.linear.gather [hbm4b:s9+s4], $0x80, $0x38;
	[tilespmem:$0x1C200] =	vst v63  }
0x8c: {  	s14 =	sadd.s32 $0xFFFFFFF0, s5  }
0x8d: {  	[tilespmem:s21], [sflag:$0x4] =	stream.linear.gather [hbm4b:s14+s4], $0x80, $0x38;
	[tilespmem:$0x1C200] =	vst v63  }
0x8e: {  	_ =	swait.ge [sflag:s22], $0x80  }
0x8f: {  	[sflag:s22] =	ssyncset.done $0x0  }
0x90: {  	[sflag:s22] =	ssyncadd.s32 $0xFFFFFF80  }
0x91: {  	[tilespmem:s23], [sflag:$0x6] =	stream.indirect.gather [hbm4b:s2+s19], $0x80, s19, s19, $0xb8;
	[tilespmem:$0x1C200] =	vst v63  }
0x92: {  	_ =	swait.ge [sflag:s24], $0x4000  }
0x93: {  	[sflag:s24] =	ssyncset.done $0x0  }
0x94: {  	[sflag:s24] =	ssyncadd.s32 $0xFFFFC000  }
0x95: {  	_ =	swait.ge [sflag:s25], $0x80  }
0x96: {  	[sflag:s25] =	ssyncset.done $0x0  }
0x97: {  	[sflag:s25] =	ssyncadd.s32 $0xFFFFFF80  }
0x98: {  	[spmem:s3] =	stream.indirect.scatter.add.f32 [tilespmem:s20], [sflag:$0x7], $0x80, s17, s19, $0xb8;
	[tilespmem:$0x1C200] =	vst v63  }
0x99: {  	s31 =	sadd.s32 $0x2, s30;
	_ =	swait.ge [sflag:s16], $0x4000  }
0x9a: {  	p0 =	sge.u32 s31, s6;
	[sflag:s16] =	ssyncset.done $0x0  }
0x9b: {  	s8 =	simm.s32 @!p0 $0x0;
	[sflag:s16] =	ssyncadd.s32 $0xFFFFC000  }
0x9c: {  	[tilespmem:s8], [sflag:$0x1] =	stream.linear.gather @!p0 [hbm4b:s1+s8], $0x80, $0x38;
	[tilespmem:$0x1C200] =	vst v63  }
0x9d: {  	s1 =	simm.s32 @!p0 $0x100  }
0x9e: {  	[tilespmem:s1], [sflag:$0x3] =	stream.linear.gather @!p0 [hbm4b:s5+s8], $0x80, $0x38;
	[tilespmem:$0x1C200] =	vst v63  }
0x9f: {  	s1 =	simm.s32 @!p0 $0x1  }
0xa0: {  	_ =	swait.ge @!p0 [sflag:s1], $0x80  }
0xa1: {  	[sflag:s1] =	ssyncset.done @!p0 $0x0  }
0xa2: {  	s5 =	simm.s32 @!p0 $0x200;
	[sflag:s1] =	ssyncadd.s32 @!p0 $0xFFFFFF80;
	s1 =	simm.s32 @!p0 $0x80  }
0xa3: {  	[tilespmem:s5], [sflag:$0x5] =	stream.indirect.gather @!p0 [hbm4b:s2+s1], $0x80, s8, s1, $0xb8;
	[tilespmem:$0x1C200] =	vst v63  }
0xa4: {  	_ =	swait.ge [sflag:s26], $0x4000  }
0xa5: {  	[sflag:s26] =	ssyncset.done $0x0  }
0xa6: {  	[sflag:s26] =	ssyncadd.s32 $0xFFFFC000  }
0xa7: {  	_ =	swait.ge [sflag:s28], $0x80  }
0xa8: {  	[sflag:s28] =	ssyncset.done $0x0  }
0xa9: {  	[sflag:s28] =	ssyncadd.s32 $0xFFFFFF80  }
0xaa: {  	[spmem:s3] =	stream.indirect.scatter.add.f32 [tilespmem:s23], [sflag:$0x7], $0x80, s21, s19, $0xb8;
	[tilespmem:$0x1C200] =	vst v63  }
0xab: {  	_ =	swait.ge [sflag:s16], $0x4000  }
0xac: {  	s29 =	sadd.s32 $0x1, s29;
	[sflag:s16] =	ssyncset.done $0x0  }
0xad: {  	p0 =	sne.s32 s29, s11;
	[sflag:s16] =	ssyncadd.s32 $0xFFFFC000  }
.Ltmp3:
0xae: {  	[bflag:$0x0] =	sbarrier.arrive $0xFFFF;
	(pc) =	sbr.rel @p0 .LBB2_1-.Ltmp3, $4  }
0xaf: {  	[hbm:s10], [sflag:s7] =	dma.local [spmem:s15], $0x2800  }
0xb0: {  	_ =	swait.ge [sflag:s16], $0x2800  }
0xb1: {  	[sflag:s16] =	ssyncset.done $0x0  }
0xb2: {  	[sflag:s16] =	ssyncadd.s32 $0xFFFFD800  }
0xb3: {  	_ =	sfence.sel $0x180000  }
0xb4: {  	[bflag:$0x0] =	sbarrier.arrive $0xFFFF  }
0xb5: {  	_ =	strace $0x9000004A  }
0xb6: {  	s0 =	stileid.u32;
	[bflag:$0x2] =	sbarrier.arrive $0xFFFF  }
0xb7: {  	p0 =	sne.s32 s0, $0x0;
	s0 =	rddreg [dreg:$0x3]  }
0xb8: {  	s0 =	sadd.s32 @!p0 $0x100000, s0  }
0xb9: {  	[sflag:s0] =	ssyncadd.tile.s32 @!p0 $0x1;
	_ =	shalt  }
.Lfunc_end2:
_tile_overlayer_lowered:
.L_overlay_start_2:
0xba: {  	(tag) =	ssettag $0x2  }
0xbb: {  	s0 =	rddreg [dreg:$0x0];
	s2 =	stileid.u32  }
0xbc: {  	s1 =	rddreg [dreg:$0x1];
	p0 =	sne.s32 s2, $0x0  }
0xbd: {  	s3 =	rddreg [dreg:$0x2];
	[bflag:$0x3] =	sbarrier.arrive $0xFFFF;
	s2 =	simm.s32 @!p0 $0x1C07  }
0xbe: {  	[timem:s3], [sflag:s2] =	dma.local @!p0 [hbm:s0], s1  }
0xbf: {  	s0 =	simm.s32 @!p0 $0x7  }
0xc0: {  	_ =	swait.ge @!p0 [sflag:s0], s1  }
0xc1: {  	s1 =	ssub.s32 @!p0 $0x0, s1;
	[sflag:s0] =	ssyncset.done @!p0 $0x0  }
0xc2: {  	[sflag:s0] =	ssyncadd.s32 @!p0 s1  }
0xc3: {  	[bflag:$0x3] =	sbarrier.arrive $0xFFFF  }
0xc4: {  	_ =	shalt  }

// kernel: kernel.14.cloned.1.call-start
scs
__scs_entry_jumppad:
0x0: {  	(pc) =	sbr.rel $0x88, $3  }
0x1: {  	(tag) =	ssettag $0x0;
	lr =	simm.s32 $0x1  }
0x2: {  	[smem:$0x3F9B] =	sst lr;
	_ =	strace $0xD0000000  }
0x3: {  	_ = 	snop  }
0x4: {  	_ = 	snop  }
0x5: {  	_ = 	snop  }
0x6: {  	_ = 	snop  }
0x7: {  	_ = 	snop  }
__scs_overlays_trampoline_lowered:
0x8: {  	[smem:$0x3FAA] =	sst s0  }
0x9: {  	[smem:$0x3FAB] =	sst s1  }
0xa: {  	[smem:$0x3FAC] =	sst s2  }
0xb: {  	[smem:$0x3FAD] =	sst s3  }
0xc: {  	[smem:$0x3FAE] =	sst s4  }
0xd: {  	[smem:$0x3FAF] =	sst s5  }
0xe: {  	[smem:$0x3FB0] =	sst s6  }
0xf: {  	[smem:$0x3FB1] =	sst s7  }
0x10: {  	[smem:$0x3FB2] =	sst s8  }
0x11: {  	[smem:$0x3FB3] =	sst s9;
	s0 =	simm.s32 @!p0 $0x0  }
0x12: {  	s1 =	sld [smem:$0x3F99];
	s0 =	simm.s32 @p0 $0x1  }
0x13: {  	[smem:$0x3FB4] =	sst s0;
	s0 =	simm.s32 @!p1 $0x0  }
0x14: {  	s2 =	sld [smem:$0x3F98];
	s0 =	simm.s32 @p1 $0x1  }
0x15: {  	[smem:$0x3FB5] =	sst s0;
	s0 =	simm.s32 @!p2 $0x0  }
0x16: {  	s3 =	sld [smem:$0x3FDB];
	s0 =	simm.s32 @p2 $0x1  }
0x17: {  	s4 =	simm.s32 $0x1BF5;
	[smem:$0x3FB7] =	sst s0  }
0x18: {  	s0 =	sld [smem:$0x3F9A];
	_ =	swait.ge [sflag:s4], $0x0  }
0x19: {  	s7 =	sld [smem:$0x3F9B]  }
0x1a: {  	s8 =	sadd.s32 $0xFFFFE003, lr  }
0x1b: {  	s9 =	sadd.s32 $0xFFFFFEF7, lr;
	s5 =	simm.s32 $0xFFFFFFFF;
	p2 =	slt.u32 s8, $0xFFFFF086  }
0x1c: {  	p1 =	slt.u32 s9, $0xF7A;
	s5 =	simm.s32 @!p2 $0x0  }
0x1d: {  	s5 =	simm.s32 @p1 $0x1;
	p0 =	seq.s32 s7, s2  }
0x1e: {  	s7 =	smul.u32 @!p0 $0xF7A, s2;
	p2 =	seq.s32 @!p0 s5, $0x0  }
0x1f: {  	s9 =	smul.u32 $0xF7A, s1;
	s8 =	simm.s32 @!p0 $0x1BF5;
	p2 =	por !p2, p0  }
0x20: {  	[sflag:s8] =	ssyncset.s32 @!p0 $0xFFFFF086;
	s6 =	sadd.s32 @!p0 s3, s7;
	s7 =	simm.s32 @!p0 $0x108  }
0x21: {  	s3 =	sadd.s32 s3, s9;
	s6 =	sadd.s32 @!p0 $0x88, s6;
	s7 =	simm.s32 @p2 $0x1082  }
0x22: {  	[simem:s7], [sflag:s8] =	dma.local @!p0 [hbm:s6], $0xF7A  }
0x23: {  	s9 =	sor.u32 $0xD0000000, s2;
	s6 =	simm.s32 $0x108;
	_ =	swait.ge @!p0 [sflag:s8], $0x0  }
0x24: {  	s3 =	sadd.s32 $0x88, s3;
	s6 =	simm.s32 @!p1 $0x1082;
	[sflag:s4] =	ssyncset.s32 $0xFFFFF086  }
0x25: {  	[simem:s6], [sflag:s4] =	dma.local [hbm:s3], $0xF7A  }
0x26: {  	[smem:$0x3F9B] =	sst s1;
	(tag) =	ssettag s2;
	_ =	strace s9  }
0x27: {  	s1 =	sld [smem:$0x3FAB]  }
0x28: {  	s2 =	sld [smem:$0x3FAC]  }
0x29: {  	s4 =	sld [smem:$0x3FAE]  }
0x2a: {  	p0 =	seq.s32 s5, $0x0;
	s5 =	sld [smem:$0x3FAF]  }
0x2b: {  	s6 =	sld [smem:$0x3FB0]  }
0x2c: {  	s7 =	sld [smem:$0x3FB1]  }
0x2d: {  	s3 =	simm.s32 $0x108;
	s8 =	sld [smem:$0x3FB2]  }
0x2e: {  	s3 =	simm.s32 @!p0 $0x1082;
	s9 =	sld [smem:$0x3FB3]  }
0x2f: {  	lr =	sadd.s32 s0, s3;
	s0 =	sld [smem:$0x3FAA]  }
0x30: {  	s3 =	sld [smem:$0x3FAD]  }
0x31: {  	[smem:$0x3FB6] =	sst s10  }
0x32: {  	s10 =	sld [smem:$0x3FB4];
	_ =	sdelay $0x3  }
0x33: {  	p0 =	seq.s32 s10, $0x1;
	s10 =	sld [smem:$0x3FB6];
	_ =	sdelay $0x3  }
0x34: {  	[smem:$0x3FB6] =	sst s10  }
0x35: {  	s10 =	sld [smem:$0x3FB5];
	_ =	sdelay $0x3  }
0x36: {  	p1 =	seq.s32 s10, $0x1;
	s10 =	sld [smem:$0x3FB6];
	_ =	sdelay $0x3  }
0x37: {  	[smem:$0x3FB6] =	sst s10  }
0x38: {  	s10 =	sld [smem:$0x3FB7]  }
0x39: {  	_ = 	snop;
	(pc) =	sbr.ind lr, $3  }
0x3a: {  	_ = 	snop  }
0x3b: {  	_ = 	snop  }
0x3c: {  	p2 =	seq.s32 s10, $0x1;
	s10 =	sld [smem:$0x3FB6]  }
0x3d: {  	_ =	shalt  }
0x3e: {  	_ =	shalt  }
0x3f: {  	_ =	shalt  }
0x40: {  	_ =	shalt  }
0x41: {  	_ =	shalt  }
0x42: {  	_ =	shalt  }
0x43: {  	_ =	shalt  }
0x44: {  	_ =	shalt  }
0x45: {  	_ =	shalt  }
0x46: {  	_ =	shalt  }
0x47: {  	_ =	shalt  }
0x48: {  	_ =	shalt  }
0x49: {  	_ =	shalt  }
0x4a: {  	_ =	shalt  }
0x4b: {  	_ =	shalt  }
0x4c: {  	_ =	shalt  }
0x4d: {  	_ =	shalt  }
0x4e: {  	_ =	shalt  }
0x4f: {  	_ =	shalt  }
0x50: {  	_ =	shalt  }
0x51: {  	_ =	shalt  }
0x52: {  	_ =	shalt  }
0x53: {  	_ =	shalt  }
0x54: {  	_ =	shalt  }
0x55: {  	_ =	shalt  }
0x56: {  	_ =	shalt  }
0x57: {  	_ =	shalt  }
0x58: {  	_ =	shalt  }
0x59: {  	_ =	shalt  }
0x5a: {  	_ =	shalt  }
0x5b: {  	_ =	shalt  }
0x5c: {  	_ =	shalt  }
0x5d: {  	_ =	shalt  }
0x5e: {  	_ =	shalt  }
0x5f: {  	_ =	shalt  }
0x60: {  	_ =	shalt  }
0x61: {  	_ =	shalt  }
0x62: {  	_ =	shalt  }
0x63: {  	_ =	shalt  }
0x64: {  	_ =	shalt  }
0x65: {  	_ =	shalt  }
0x66: {  	_ =	shalt  }
0x67: {  	_ =	shalt  }
0x68: {  	_ =	shalt  }
0x69: {  	_ =	shalt  }
0x6a: {  	_ =	shalt  }
0x6b: {  	_ =	shalt  }
0x6c: {  	_ =	shalt  }
0x6d: {  	_ =	shalt  }
0x6e: {  	_ =	shalt  }
0x6f: {  	_ =	shalt  }
0x70: {  	_ =	shalt  }
0x71: {  	_ =	shalt  }
0x72: {  	_ =	shalt  }
0x73: {  	_ =	shalt  }
0x74: {  	_ =	shalt  }
0x75: {  	_ =	shalt  }
0x76: {  	_ =	shalt  }
0x77: {  	_ =	shalt  }
0x78: {  	_ =	shalt  }
0x79: {  	_ =	shalt  }
0x7a: {  	_ =	shalt  }
0x7b: {  	_ =	shalt  }
0x7c: {  	_ =	shalt  }
0x7d: {  	_ =	shalt  }
0x7e: {  	_ =	shalt  }
0x7f: {  	_ =	shalt  }
0x80: {  	_ =	shalt  }
0x81: {  	_ =	shalt  }
0x82: {  	_ =	shalt  }
0x83: {  	_ =	shalt  }
0x84: {  	_ =	shalt  }
0x85: {  	_ =	shalt  }
0x86: {  	_ =	shalt  }
0x87: {  	_ =	shalt  }
.Lfunc_end0:
.L_simem_size_0:
called_computation.2_lowered:
.L_overlay_start_0:
0x88: {  	s2 =	sld [smem:$0x3FD9]  }
0x89: {  	s3 =	sld [smem:$0x3FFE];
	_ =	sdelay $0x1  }
0x8a: {  	s1 =	srdreg.scid  }
0x8b: {  	s0 =	sand.u32 $0x1, s1  }
0x8c: {  	s17 =	sshll.u32 s0, $0xA;
	s2 =	sadd.s32 s3, s2  }
0x8d: {  	s2 =	sadd.s32 s2, s17  }
0x8e: {  	[smem:$0x3FC2] =	sst s2  }
0x8f: {  	_ = 	snop  }
0x90: {  	s2 =	sld [smem:$0x3FD0];
	(tm) =	ssettm $0x1  }
0x91: {  	s18 =	sld [smem:$0x3FFB];
	_ =	sdelay $0x3  }
0x92: {  	_ =	strace s18  }
0x93: {  	s3 =	sld [smem:$0x3FFC];
	_ =	sdelay $0x3  }
0x94: {  	_ =	strace s3  }
0x95: {  	s3 =	sld [smem:$0x3FFD];
	_ =	sdelay $0x3  }
0x96: {  	_ =	strace s3  }
0x97: {  	_ =	strace $0x8FFFFFFF  }
0x98: {  	s19 =	sld [smem:$0x3FDB];
	_ =	sdelay $0x1  }
0x99: {  	s4 =	simm.s32 $_scs_section_size  }
0x9a: {  	s5 =	simm.s32 $_size__tile_overlayer_lowered;
	s6 =	simm.s32 $_tile_overlayer_lowered  }
0x9b: {  	s22 =	simm.s32 $0x1BFF;
	s21 =	sshll.u32 s6, $0x1;
	s3 =	sadd.s32 s4, s19  }
0x9c: {  	s7 =	simm.s32 $0x0;
	s20 =	sshll.u32 s5, $0x1;
	s5 =	sadd.s32 s21, s3  }
0x9d: {  	[timem:s7], [sflag:s22] =	dma.local [hbm:s5], s20  }
0x9e: {  	_ =	swait.ge [sflag:s22], s20  }
0x9f: {  	s4 =	ssub.s32 $0x0, s20;
	[sflag:s22] =	ssyncset.done $0x0  }
0xa0: {  	[sflag:s22] =	ssyncadd.s32 s4;
	_ =	sdelay $0x1  }
0xa1: {  	s23 =	simm.s32 $0x1B8B  }
0xa2: {  	_ =	swait.ge [sflag:s23], $0x1  }
0xa3: {  	[sflag:s23] =	ssyncset.done $0x0  }
0xa4: {  	s25 =	simm.s32 $0x1B8E;
	s24 =	sld [smem:$0x3FFE];
	[sflag:s23] =	ssyncadd.s32 $0xFFFFFFFF  }
0xa5: {  	s26 =	simm.s32 $execute0_lowered;
	[smem:$0x3FD2] =	sst s25  }
0xa6: {  	s5 =	sshll.u32 s26, $0x1;
	_ =	strace $0x8000004C;
	[dreg:$0x1] =	wrdreg $0xFFFFFFFF  }
0xa7: {  	s28 =	simm.s32 $_size_execute0_lowered;
	s3 =	sadd.s32 s3, s5;
	[dreg:$0x0] =	wrdreg $0x0  }
0xa8: {  	s5 =	sshll.u32 s28, $0x1;
	[dreg:$0x2] =	wrdreg s3  }
0xa9: {  	[dreg:$0x3] =	wrdreg s5  }
0xaa: {  	[dreg:$0x4] =	wrdreg $0xC0  }
0xab: {  	_ =	task [dreg:s7], $0x5FFFF  }
0xac: {  	[dreg:$0x1] =	wrdreg $0xFFFFFFFF  }
0xad: {  	[dreg:$0x0] =	wrdreg $0x60  }
0xae: {  	[dreg:$0x2] =	wrdreg s2  }
0xaf: {  	[dreg:$0x3] =	wrdreg s24  }
0xb0: {  	[dreg:$0x4] =	wrdreg $0x82000  }
0xb1: {  	[dreg:$0x5] =	wrdreg $0x9  }
0xb2: {  	_ =	task.clear_ibuf [dreg:s7], $0x6FFFF;
	_ =	strace $0x9000004C  }
0xb3: {  	s29 =	simm.s32 $0x9;
	_ =	strace $0x8000004E  }
0xb4: {  	_ =	swait.ge [sflag:s29], $0x1  }
0xb5: {  	[sflag:s29] =	ssyncadd.s32 $0xFFFFFFFF  }
0xb6: {  	_ =	strace $0x9000004E  }
0xb7: {  	_ =	sfence  }
0xb8: {  	s30 =	sld [smem:$0x0];
	_ =	sdelay $0x2  }
0xb9: {  	s31 =	sshll.u32 s1, $0xD;
	s1 =	sshrl.u32 s1, $0x2  }
0xba: {  	s3 =	sand.u32 $0x4000, s31;
	s1 =	sadd.s32 s1, s30  }
0xbb: {  	s0 =	sor.u32 s3, s0;
	s1 =	sshll.u32 s1, $0x11  }
0xbc: {  	s0 =	sor.u32 s1, s0  }
0xbd: {  	s0 =	sadd.s32 $0x8F2B, s0  }
0xbe: {  	[sflag:s0] =	ssyncadd.remote.s32 $0x1  }
0xbf: {  	_ =	sfence.sel $0xFFFF  }
0xc0: {  	[dreg:$0x0] =	wrdreg $0xFFFFFFFF;
	(pc) =	sbr.abs _section_cstart, $3  }
0xc1: {  	[dreg:$0x1] =	wrdreg $0xFFFFFFFF  }
0xc2: {  	_ =	task.clear_ibuf [dreg:s7], $0x2FFFF;
	_ =	strace $0x9FFFFFFF  }
0xc3: {  	(tm) =	ssettm $0x7FFFFFFF  }
tec
execute0_lowered:
.L_overlay_start_1:
0x0: {  	(tag) =	ssettag $0x1  }
0x1: {  	s2 =	rddreg [dreg:$0x0]  }
0x2: {  	s0 =	rddreg [dreg:$0x1]  }
0x3: {  	s3 =	rddreg [dreg:$0x2]  }
0x4: {  	s9 =	stileid.u32;
	s1 =	srdreg.scid  }
0x5: {  	s4 =	simm.s32 $0x0;
	s16 =	simm.s32 $0x7;
	s17 =	simm.s32 $0x100  }
0x6: {  	s18 =	simm.s32 $0x1;
	s19 =	simm.s32 $0x80;
	s20 =	simm.s32 $0x200  }
0x7: {  	s21 =	simm.s32 $0x180;
	s28 =	simm.s32 $0x4;
	s5 =	smul.u32 $0x14, s9  }
0x8: {  	s29 =	simm.s32 $0x0;
	s1 =	sand.u32 $0x1, s1;
	s6 =	smul.u32 $0x3C, s9  }
0x9: {  	[smem:$0x7FF] =	sst s4;
	s22 =	smul.u32 $0x2800, s9;
	s23 =	sadd.s32 $0x7200, s0  }
0xa: {  	s8 =	smul.u32 $0x50000, s9;
	s26 =	sshll.u32 s9, $0x6;
	p0 =	seq.s32 s1, $0x0  }
0xb: {  	_ =	strace $0x8000004D;
	s7 =	smul.u32 $0x28000, s1;
	[dreg:$0x4] =	wrdreg s23  }
0xc: {  	s1 =	ssub.s32 $0x2, s1;
	s23 =	simm.s32 $0x4200;
	s5 =	sadd.s32 $0x3C0, s5  }
0xd: {  	s24 =	sshrl.u32 s1, $0x1;
	s25 =	sshrl.u32 s8, $0x2;
	s5 =	smov.u32 @p0 s6  }
0xe: {  	s6 =	sadd.s32 s22, s7;
	s1 =	ssub.s32 s1, s24;
	s15 =	sadd.s32 s25, s3  }
0xf: {  	s7 =	sor.u32 $0x1C07, s26;
	s22 =	simm.s32 $0x2;
	s24 =	simm.s32 $0x5  }
0x10: {  	s25 =	simm.s32 $0x3;
	s26 =	simm.s32 $0x6;
	s5 =	sshll.u32 s5, $0x4  }
0x11: {  	s14 =	sadd.s32 s5, s0;
	s0 =	sadd.s32 s6, s0;
	s6 =	simm.s32 $0x3C  }
0x12: {  	s11 =	smax.u32 s1, $0x1;
	s15 =	sshrl.u32 s15, $0x3;
	s6 =	simm.s32 @!p0 $0x14  }
0x13: {  	s30 =	sadd.s32 $0x59A00, s14;
	s31 =	sadd.s32 $0x2200, s14;
	s10 =	sadd.s32 $0x5EA00, s0  }
0x14: {  	s13 =	sadd.s32 $0x2220, s14;
	[dreg:$0x5] =	wrdreg s30;
	s12 =	sshrl.u32 s6, $0x1  }
0x15: {  	s0 =	sadd.s32 $0x59A20, s14;
	[dreg:$0x6] =	wrdreg s31;
	s12 =	sadd.s32 $0xFFFFFFFF, s12  }
.LBB2_1:
0x16: {  	s1 =	rddreg [dreg:$0x4]  }
0x17: {  	[spmem:s15], [sflag:s7] =	dma.local [hbm:s1], $0x2800  }
0x18: {  	_ =	swait.ge [sflag:s16], $0x2800  }
0x19: {  	[sflag:s16] =	ssyncset.done $0x0  }
0x1a: {  	s9 =	rddreg [dreg:$0x5];
	[sflag:s16] =	ssyncadd.s32 $0xFFFFD800  }
0x1b: {  	[tilespmem:s4], [sflag:$0x1] =	stream.linear.gather [hbm4b:s9+s4], $0x80, $0x38;
	[tilespmem:$0x1C200] =	vst v63  }
0x1c: {  	s1 =	sadd.s32 $0xFFFFFFFF, s12;
	s14 =	rddreg [dreg:$0x6]  }
0x1d: {  	[tilespmem:s17], [sflag:$0x3] =	stream.linear.gather [hbm4b:s14+s4], $0x80, $0x38;
	[tilespmem:$0x1C200] =	vst v63  }
0x1e: {  	p1 =	sne.s32 s1, $0x0;
	_ =	swait.ge [sflag:s18], $0x80  }
.Ltmp0:
0x1f: {  	[sflag:s18] =	ssyncset.done $0x0;
	(pc) =	sbr.rel @!p1 .LBB2_4-.Ltmp0, $4  }
0x20: {  	[sflag:s18] =	ssyncadd.s32 $0xFFFFFF80  }
0x21: {  	[tilespmem:s20], [sflag:$0x5] =	stream.indirect.gather [hbm4b:s2+s19], $0x80, s4, s19, $0xb8;
	[tilespmem:$0x1C200] =	vst v63  }
0x22: {  	p0 =	por $0x0, $0x0;
	[bflag:$0x0] =	sbarrier.arrive $0xFFFF  }
0x23: {  	s31 =	smov.u32 s13;
	s30 =	simm.s32 $0x2;
	s14 =	smov.u32 s0  }
0x24: {  	s14 =	sadd.s32 $0xFFFFFFF0, s0  }
0x25: {  	[tilespmem:s19], [sflag:$0x2] =	stream.linear.gather [hbm4b:s14+s4], $0x80, $0x38;
	[tilespmem:$0x1C200] =	vst v63  }
0x26: {  	s9 =	sadd.s32 $0xFFFFFFF0, s13  }
0x27: {  	[tilespmem:s21], [sflag:$0x4] =	stream.linear.gather [hbm4b:s9+s4], $0x80, $0x38;
	[tilespmem:$0x1C200] =	vst v63  }
0x28: {  	_ =	swait.ge [sflag:s22], $0x80  }
0x29: {  	[sflag:s22] =	ssyncset.done $0x0  }
0x2a: {  	[sflag:s22] =	ssyncadd.s32 $0xFFFFFF80  }
0x2b: {  	[tilespmem:s23], [sflag:$0x6] =	stream.indirect.gather [hbm4b:s2+s19], $0x80, s19, s19, $0xb8;
	[tilespmem:$0x1C200] =	vst v63  }
0x2c: {  	_ =	swait.ge [sflag:s24], $0x4000  }
0x2d: {  	[sflag:s24] =	ssyncset.done $0x0  }
0x2e: {  	[sflag:s24] =	ssyncadd.s32 $0xFFFFC000  }
0x2f: {  	_ =	swait.ge [sflag:s25], $0x80  }
0x30: {  	[sflag:s25] =	ssyncset.done $0x0  }
0x31: {  	[sflag:s25] =	ssyncadd.s32 $0xFFFFFF80  }
0x32: {  	[spmem:s3] =	stream.indirect.scatter.add.f32 [tilespmem:s20], [sflag:$0x7], $0x80, s17, s19, $0xb8;
	[tilespmem:$0x1C200] =	vst v63  }
0x33: {  	_ =	swait.ge [sflag:s16], $0x4000  }
0x34: {  	p0 =	sle.u32 s6, $0x2;
	[sflag:s16] =	ssyncset.done $0x0  }
0x35: {  	s14 =	simm.s32 @!p0 $0x0;
	[sflag:s16] =	ssyncadd.s32 $0xFFFFC000  }
0x36: {  	[tilespmem:s14], [sflag:$0x1] =	stream.linear.gather @!p0 [hbm4b:s0+s14], $0x80, $0x38;
	[tilespmem:$0x1C200] =	vst v63  }
0x37: {  	s30 =	simm.s32 @!p0 $0x100;
	s31 =	simm.s32 @!p0 $0x1  }
0x38: {  	[tilespmem:s30], [sflag:$0x3] =	stream.linear.gather @!p0 [hbm4b:s13+s14], $0x80, $0x38;
	[tilespmem:$0x1C200] =	vst v63  }
0x39: {  	_ =	swait.ge @!p0 [sflag:s31], $0x80  }
0x3a: {  	[sflag:s31] =	ssyncset.done @!p0 $0x0  }
0x3b: {  	s30 =	simm.s32 @!p0 $0x80;
	[sflag:s31] =	ssyncadd.s32 @!p0 $0xFFFFFF80;
	s31 =	simm.s32 @!p0 $0x200  }
0x3c: {  	[tilespmem:s31], [sflag:$0x5] =	stream.indirect.gather @!p0 [hbm4b:s2+s30], $0x80, s14, s30, $0xb8;
	[tilespmem:$0x1C200] =	vst v63  }
0x3d: {  	_ =	swait.ge [sflag:s26], $0x4000  }
0x3e: {  	[sflag:s26] =	ssyncset.done $0x0  }
0x3f: {  	s1 =	sadd.s32 $0xFFFFFFFF, s1;
	[sflag:s26] =	ssyncadd.s32 $0xFFFFC000  }
0x40: {  	p1 =	sne.s32 s1, $0x0;
	_ =	swait.ge [sflag:s28], $0x80  }
.Ltmp1:
0x41: {  	[sflag:s28] =	ssyncset.done $0x0;
	(pc) =	sbr.rel @!p1 .LBB2_4-.Ltmp1, $4  }
0x42: {  	[sflag:s28] =	ssyncadd.s32 $0xFFFFFF80  }
0x43: {  	[spmem:s3] =	stream.indirect.scatter.add.f32 [tilespmem:s23], [sflag:$0x7], $0x80, s21, s19, $0xb8;
	[tilespmem:$0x1C200] =	vst v63  }
0x44: {  	s30 =	simm.s32 $0x4;
	s31 =	sadd.s32 $0x20, s13;
	_ =	swait.ge [sflag:s16], $0x4000  }
0x45: {  	s14 =	sadd.s32 $0x20, s0;
	p0 =	por $0x1, $0x1;
	[sflag:s16] =	ssyncset.done $0x0  }
.LBB2_3:
0x46: {  	s1 =	sadd.s32 $0xFFFFFFFF, s1;
	s5 =	sadd.s32 $0xFFFFFFF0, s14;
	[sflag:s16] =	ssyncadd.s32 $0xFFFFC000  }
0x47: {  	[tilespmem:s19], [sflag:$0x2] =	stream.linear.gather [hbm4b:s5+s4], $0x80, $0x38;
	[tilespmem:$0x1C200] =	vst v63  }
0x48: {  	p1 =	sne.s32 s1, $0x0;
	s5 =	sadd.s32 $0xFFFFFFF0, s31  }
0x49: {  	[tilespmem:s21], [sflag:$0x4] =	stream.linear.gather [hbm4b:s5+s4], $0x80, $0x38;
	[tilespmem:$0x1C200] =	vst v63  }
0x4a: {  	_ =	swait.ge [sflag:s22], $0x80  }
0x4b: {  	[sflag:s22] =	ssyncset.done $0x0  }
0x4c: {  	[sflag:s22] =	ssyncadd.s32 $0xFFFFFF80  }
0x4d: {  	[tilespmem:s23], [sflag:$0x6] =	stream.indirect.gather [hbm4b:s2+s19], $0x80, s19, s19, $0xb8;
	[tilespmem:$0x1C200] =	vst v63  }
0x4e: {  	_ =	swait.ge [sflag:s24], $0x4000  }
0x4f: {  	[sflag:s24] =	ssyncset.done $0x0  }
0x50: {  	[sflag:s24] =	ssyncadd.s32 $0xFFFFC000  }
0x51: {  	_ =	swait.ge [sflag:s25], $0x80  }
0x52: {  	[sflag:s25] =	ssyncset.done $0x0  }
0x53: {  	[sflag:s25] =	ssyncadd.s32 $0xFFFFFF80  }
0x54: {  	[spmem:s3] =	stream.indirect.scatter.add.f32 [tilespmem:s20], [sflag:$0x7], $0x80, s17, s19, $0xb8;
	[tilespmem:$0x1C200] =	vst v63  }
0x55: {  	_ =	swait.ge [sflag:s16], $0x4000  }
0x56: {  	p2 =	sge.u32 s30, s6;
	[sflag:s16] =	ssyncset.done $0x0  }
0x57: {  	s5 =	simm.s32 @!p2 $0x0;
	[sflag:s16] =	ssyncadd.s32 $0xFFFFC000  }
0x58: {  	[tilespmem:s5], [sflag:$0x1] =	stream.linear.gather @!p2 [hbm4b:s14+s5], $0x80, $0x38;
	[tilespmem:$0x1C200] =	vst v63  }
0x59: {  	s8 =	simm.s32 @!p2 $0x100;
	s9 =	simm.s32 @!p2 $0x1  }
0x5a: {  	[tilespmem:s8], [sflag:$0x3] =	stream.linear.gather @!p2 [hbm4b:s31+s5], $0x80, $0x38;
	[tilespmem:$0x1C200] =	vst v63  }
0x5b: {  	_ =	swait.ge @!p2 [sflag:s9], $0x80  }
0x5c: {  	[sflag:s9] =	ssyncset.done @!p2 $0x0  }
0x5d: {  	s8 =	simm.s32 @!p2 $0x80;
	[sflag:s9] =	ssyncadd.s32 @!p2 $0xFFFFFF80;
	s9 =	simm.s32 @!p2 $0x200  }
0x5e: {  	[tilespmem:s9], [sflag:$0x5] =	stream.indirect.gather @!p2 [hbm4b:s2+s8], $0x80, s5, s8, $0xb8;
	[tilespmem:$0x1C200] =	vst v63  }
0x5f: {  	_ =	swait.ge [sflag:s26], $0x4000  }
0x60: {  	[sflag:s26] =	ssyncset.done $0x0  }
0x61: {  	[sflag:s26] =	ssyncadd.s32 $0xFFFFC000  }
0x62: {  	_ =	swait.ge [sflag:s28], $0x80  }
.Ltmp2:
0x63: {  	[sflag:s28] =	ssyncset.done $0x0;
	(pc) =	sbr.rel @p1 .LBB2_3-.Ltmp2, $4  }
0x64: {  	[sflag:s28] =	ssyncadd.s32 $0xFFFFFF80  }
0x65: {  	[spmem:s3] =	stream.indirect.scatter.add.f32 [tilespmem:s23], [sflag:$0x7], $0x80, s21, s19, $0xb8;
	[tilespmem:$0x1C200] =	vst v63  }
0x66: {  	s30 =	sadd.s32 $0x2, s30;
	_ =	swait.ge [sflag:s16], $0x4000  }
0x67: {  	s14 =	sadd.s32 $0x20, s14;
	s31 =	sadd.s32 $0x20, s31;
	[sflag:s16] =	ssyncset.done $0x0  }
.LBB2_4:
0x68: {  	s1 =	sadd.s32 $0xFFFFFFF0, s14;
	[sflag:s16] =	ssyncadd.s32 @p0 $0xFFFFC000  }
0x69: {  	[tilespmem:s19], [sflag:$0x2] =	stream.linear.gather [hbm4b:s1+s4], $0x80, $0x38;
	[tilespmem:$0x1C200] =	vst v63  }
0x6a: {  	s8 =	sadd.s32 $0xFFFFFFF0, s31  }
0x6b: {  	[tilespmem:s21], [sflag:$0x4] =	stream.linear.gather [hbm4b:s8+s4], $0x80, $0x38;
	[tilespmem:$0x1C200] =	vst v63  }
0x6c: {  	_ =	swait.ge [sflag:s22], $0x80  }
0x6d: {  	[sflag:s22] =	ssyncset.done $0x0  }
0x6e: {  	[sflag:s22] =	ssyncadd.s32 $0xFFFFFF80  }
0x6f: {  	[tilespmem:s23], [sflag:$0x6] =	stream.indirect.gather [hbm4b:s2+s19], $0x80, s19, s19, $0xb8;
	[tilespmem:$0x1C200] =	vst v63  }
0x70: {  	_ =	swait.ge [sflag:s24], $0x4000  }
0x71: {  	[sflag:s24] =	ssyncset.done $0x0  }
0x72: {  	[sflag:s24] =	ssyncadd.s32 $0xFFFFC000  }
0x73: {  	_ =	swait.ge [sflag:s25], $0x80  }
0x74: {  	[sflag:s25] =	ssyncset.done $0x0  }
0x75: {  	[sflag:s25] =	ssyncadd.s32 $0xFFFFFF80  }
0x76: {  	[spmem:s3] =	stream.indirect.scatter.add.f32 [tilespmem:s20], [sflag:$0x7], $0x80, s17, s19, $0xb8;
	[tilespmem:$0x1C200] =	vst v63  }
0x77: {  	_ =	swait.ge [sflag:s16], $0x4000  }
0x78: {  	p0 =	sge.u32 s30, s6;
	[sflag:s16] =	ssyncset.done $0x0  }
0x79: {  	s1 =	simm.s32 @!p0 $0x0;
	[sflag:s16] =	ssyncadd.s32 $0xFFFFC000  }
0x7a: {  	[tilespmem:s1], [sflag:$0x1] =	stream.linear.gather @!p0 [hbm4b:s14+s1], $0x80, $0x38;
	[tilespmem:$0x1C200] =	vst v63  }
0x7b: {  	s5 =	simm.s32 @!p0 $0x100;
	s8 =	simm.s32 @!p0 $0x1  }
0x7c: {  	[tilespmem:s5], [sflag:$0x3] =	stream.linear.gather @!p0 [hbm4b:s31+s1], $0x80, $0x38;
	[tilespmem:$0x1C200] =	vst v63  }
0x7d: {  	_ =	swait.ge @!p0 [sflag:s8], $0x80  }
0x7e: {  	[sflag:s8] =	ssyncset.done @!p0 $0x0  }
0x7f: {  	s5 =	simm.s32 @!p0 $0x80;
	[sflag:s8] =	ssyncadd.s32 @!p0 $0xFFFFFF80;
	s8 =	simm.s32 @!p0 $0x200  }
0x80: {  	[tilespmem:s8], [sflag:$0x5] =	stream.indirect.gather @!p0 [hbm4b:s2+s5], $0x80, s1, s5, $0xb8;
	[tilespmem:$0x1C200] =	vst v63  }
0x81: {  	_ =	swait.ge [sflag:s26], $0x4000  }
0x82: {  	[sflag:s26] =	ssyncset.done $0x0  }
0x83: {  	[sflag:s26] =	ssyncadd.s32 $0xFFFFC000  }
0x84: {  	_ =	swait.ge [sflag:s28], $0x80  }
0x85: {  	[sflag:s28] =	ssyncset.done $0x0  }
0x86: {  	[sflag:s28] =	ssyncadd.s32 $0xFFFFFF80  }
0x87: {  	[spmem:s3] =	stream.indirect.scatter.add.f32 [tilespmem:s23], [sflag:$0x7], $0x80, s21, s19, $0xb8;
	[tilespmem:$0x1C200] =	vst v63  }
0x88: {  	_ =	swait.ge [sflag:s16], $0x4000  }
0x89: {  	s1 =	sadd.s32 $0x20, s14;
	[sflag:s16] =	ssyncset.done $0x0  }
0x8a: {  	s5 =	sadd.s32 $0x20, s31;
	s9 =	sadd.s32 $0xFFFFFFF0, s1;
	[sflag:s16] =	ssyncadd.s32 $0xFFFFC000  }
0x8b: {  	[tilespmem:s19], [sflag:$0x2] =	stream.linear.gather [hbm4b:s9+s4], $0x80, $0x38;
	[tilespmem:$0x1C200] =	vst v63  }
0x8c: {  	s14 =	sadd.s32 $0xFFFFFFF0, s5  }
0x8d: {  	[tilespmem:s21], [sflag:$0x4] =	stream.linear.gather [hbm4b:s14+s4], $0x80, $0x38;
	[tilespmem:$0x1C200] =	vst v63  }
0x8e: {  	_ =	swait.ge [sflag:s22], $0x80  }
0x8f: {  	[sflag:s22] =	ssyncset.done $0x0  }
0x90: {  	[sflag:s22] =	ssyncadd.s32 $0xFFFFFF80  }
0x91: {  	[tilespmem:s23], [sflag:$0x6] =	stream.indirect.gather [hbm4b:s2+s19], $0x80, s19, s19, $0xb8;
	[tilespmem:$0x1C200] =	vst v63  }
0x92: {  	_ =	swait.ge [sflag:s24], $0x4000  }
0x93: {  	[sflag:s24] =	ssyncset.done $0x0  }
0x94: {  	[sflag:s24] =	ssyncadd.s32 $0xFFFFC000  }
0x95: {  	_ =	swait.ge [sflag:s25], $0x80  }
0x96: {  	[sflag:s25] =	ssyncset.done $0x0  }
0x97: {  	[sflag:s25] =	ssyncadd.s32 $0xFFFFFF80  }
0x98: {  	[spmem:s3] =	stream.indirect.scatter.add.f32 [tilespmem:s20], [sflag:$0x7], $0x80, s17, s19, $0xb8;
	[tilespmem:$0x1C200] =	vst v63  }
0x99: {  	s31 =	sadd.s32 $0x2, s30;
	_ =	swait.ge [sflag:s16], $0x4000  }
0x9a: {  	p0 =	sge.u32 s31, s6;
	[sflag:s16] =	ssyncset.done $0x0  }
0x9b: {  	s8 =	simm.s32 @!p0 $0x0;
	[sflag:s16] =	ssyncadd.s32 $0xFFFFC000  }
0x9c: {  	[tilespmem:s8], [sflag:$0x1] =	stream.linear.gather @!p0 [hbm4b:s1+s8], $0x80, $0x38;
	[tilespmem:$0x1C200] =	vst v63  }
0x9d: {  	s1 =	simm.s32 @!p0 $0x100  }
0x9e: {  	[tilespmem:s1], [sflag:$0x3] =	stream.linear.gather @!p0 [hbm4b:s5+s8], $0x80, $0x38;
	[tilespmem:$0x1C200] =	vst v63  }
0x9f: {  	s1 =	simm.s32 @!p0 $0x1  }
0xa0: {  	_ =	swait.ge @!p0 [sflag:s1], $0x80  }
0xa1: {  	[sflag:s1] =	ssyncset.done @!p0 $0x0  }
0xa2: {  	s5 =	simm.s32 @!p0 $0x200;
	[sflag:s1] =	ssyncadd.s32 @!p0 $0xFFFFFF80;
	s1 =	simm.s32 @!p0 $0x80  }
0xa3: {  	[tilespmem:s5], [sflag:$0x5] =	stream.indirect.gather @!p0 [hbm4b:s2+s1], $0x80, s8, s1, $0xb8;
	[tilespmem:$0x1C200] =	vst v63  }
0xa4: {  	_ =	swait.ge [sflag:s26], $0x4000  }
0xa5: {  	[sflag:s26] =	ssyncset.done $0x0  }
0xa6: {  	[sflag:s26] =	ssyncadd.s32 $0xFFFFC000  }
0xa7: {  	_ =	swait.ge [sflag:s28], $0x80  }
0xa8: {  	[sflag:s28] =	ssyncset.done $0x0  }
0xa9: {  	[sflag:s28] =	ssyncadd.s32 $0xFFFFFF80  }
0xaa: {  	[spmem:s3] =	stream.indirect.scatter.add.f32 [tilespmem:s23], [sflag:$0x7], $0x80, s21, s19, $0xb8;
	[tilespmem:$0x1C200] =	vst v63  }
0xab: {  	_ =	swait.ge [sflag:s16], $0x4000  }
0xac: {  	s29 =	sadd.s32 $0x1, s29;
	[sflag:s16] =	ssyncset.done $0x0  }
0xad: {  	p0 =	sne.s32 s29, s11;
	[sflag:s16] =	ssyncadd.s32 $0xFFFFC000  }
.Ltmp3:
0xae: {  	[bflag:$0x0] =	sbarrier.arrive $0xFFFF;
	(pc) =	sbr.rel @p0 .LBB2_1-.Ltmp3, $4  }
0xaf: {  	[hbm:s10], [sflag:s7] =	dma.local [spmem:s15], $0x2800  }
0xb0: {  	_ =	swait.ge [sflag:s16], $0x2800  }
0xb1: {  	[sflag:s16] =	ssyncset.done $0x0  }
0xb2: {  	[sflag:s16] =	ssyncadd.s32 $0xFFFFD800  }
0xb3: {  	_ =	sfence.sel $0x180000  }
0xb4: {  	[bflag:$0x0] =	sbarrier.arrive $0xFFFF  }
0xb5: {  	_ =	strace $0x9000004D  }
0xb6: {  	s0 =	stileid.u32;
	[bflag:$0x2] =	sbarrier.arrive $0xFFFF  }
0xb7: {  	p0 =	sne.s32 s0, $0x0;
	s0 =	rddreg [dreg:$0x3]  }
0xb8: {  	s0 =	sadd.s32 @!p0 $0x100000, s0  }
0xb9: {  	[sflag:s0] =	ssyncadd.tile.s32 @!p0 $0x1;
	_ =	shalt  }
.Lfunc_end2:
_tile_overlayer_lowered:
.L_overlay_start_2:
0xba: {  	(tag) =	ssettag $0x2  }
0xbb: {  	s0 =	rddreg [dreg:$0x0];
	s2 =	stileid.u32  }
0xbc: {  	s1 =	rddreg [dreg:$0x1];
	p0 =	sne.s32 s2, $0x0  }
0xbd: {  	s3 =	rddreg [dreg:$0x2];
	[bflag:$0x3] =	sbarrier.arrive $0xFFFF;
	s2 =	simm.s32 @!p0 $0x1C07  }
0xbe: {  	[timem:s3], [sflag:s2] =	dma.local @!p0 [hbm:s0], s1  }
0xbf: {  	s0 =	simm.s32 @!p0 $0x7  }
0xc0: {  	_ =	swait.ge @!p0 [sflag:s0], s1  }
0xc1: {  	s1 =	ssub.s32 @!p0 $0x0, s1;
	[sflag:s0] =	ssyncset.done @!p0 $0x0  }
0xc2: {  	[sflag:s0] =	ssyncadd.s32 @!p0 s1  }
0xc3: {  	[bflag:$0x3] =	sbarrier.arrive $0xFFFF  }
0xc4: {  	_ =	shalt  }

// kernel: kernel.8.cloned.1.call-start
scs
__scs_entry_jumppad:
0x0: {  	(pc) =	sbr.rel $0x88, $3  }
0x1: {  	(tag) =	ssettag $0x0;
	lr =	simm.s32 $0x1  }
0x2: {  	[smem:$0x3F9B] =	sst lr;
	_ =	strace $0xD0000000  }
0x3: {  	_ = 	snop  }
0x4: {  	_ = 	snop  }
0x5: {  	_ = 	snop  }
0x6: {  	_ = 	snop  }
0x7: {  	_ = 	snop  }
__scs_overlays_trampoline_lowered:
0x8: {  	[smem:$0x3FAA] =	sst s0  }
0x9: {  	[smem:$0x3FAB] =	sst s1  }
0xa: {  	[smem:$0x3FAC] =	sst s2  }
0xb: {  	[smem:$0x3FAD] =	sst s3  }
0xc: {  	[smem:$0x3FAE] =	sst s4  }
0xd: {  	[smem:$0x3FAF] =	sst s5  }
0xe: {  	[smem:$0x3FB0] =	sst s6  }
0xf: {  	[smem:$0x3FB1] =	sst s7  }
0x10: {  	[smem:$0x3FB2] =	sst s8  }
0x11: {  	[smem:$0x3FB3] =	sst s9;
	s0 =	simm.s32 @!p0 $0x0  }
0x12: {  	s1 =	sld [smem:$0x3F99];
	s0 =	simm.s32 @p0 $0x1  }
0x13: {  	[smem:$0x3FB4] =	sst s0;
	s0 =	simm.s32 @!p1 $0x0  }
0x14: {  	s2 =	sld [smem:$0x3F98];
	s0 =	simm.s32 @p1 $0x1  }
0x15: {  	[smem:$0x3FB5] =	sst s0;
	s0 =	simm.s32 @!p2 $0x0  }
0x16: {  	s3 =	sld [smem:$0x3FDB];
	s0 =	simm.s32 @p2 $0x1  }
0x17: {  	s4 =	simm.s32 $0x1BF5;
	[smem:$0x3FB7] =	sst s0  }
0x18: {  	s0 =	sld [smem:$0x3F9A];
	_ =	swait.ge [sflag:s4], $0x0  }
0x19: {  	s7 =	sld [smem:$0x3F9B]  }
0x1a: {  	s8 =	sadd.s32 $0xFFFFE003, lr  }
0x1b: {  	s9 =	sadd.s32 $0xFFFFFEF7, lr;
	s5 =	simm.s32 $0xFFFFFFFF;
	p2 =	slt.u32 s8, $0xFFFFF086  }
0x1c: {  	p1 =	slt.u32 s9, $0xF7A;
	s5 =	simm.s32 @!p2 $0x0  }
0x1d: {  	s5 =	simm.s32 @p1 $0x1;
	p0 =	seq.s32 s7, s2  }
0x1e: {  	s7 =	smul.u32 @!p0 $0xF7A, s2;
	p2 =	seq.s32 @!p0 s5, $0x0  }
0x1f: {  	s9 =	smul.u32 $0xF7A, s1;
	s8 =	simm.s32 @!p0 $0x1BF5;
	p2 =	por !p2, p0  }
0x20: {  	[sflag:s8] =	ssyncset.s32 @!p0 $0xFFFFF086;
	s6 =	sadd.s32 @!p0 s3, s7;
	s7 =	simm.s32 @!p0 $0x108  }
0x21: {  	s3 =	sadd.s32 s3, s9;
	s6 =	sadd.s32 @!p0 $0x88, s6;
	s7 =	simm.s32 @p2 $0x1082  }
0x22: {  	[simem:s7], [sflag:s8] =	dma.local @!p0 [hbm:s6], $0xF7A  }
0x23: {  	s9 =	sor.u32 $0xD0000000, s2;
	s6 =	simm.s32 $0x108;
	_ =	swait.ge @!p0 [sflag:s8], $0x0  }
0x24: {  	s3 =	sadd.s32 $0x88, s3;
	s6 =	simm.s32 @!p1 $0x1082;
	[sflag:s4] =	ssyncset.s32 $0xFFFFF086  }
0x25: {  	[simem:s6], [sflag:s4] =	dma.local [hbm:s3], $0xF7A  }
0x26: {  	[smem:$0x3F9B] =	sst s1;
	(tag) =	ssettag s2;
	_ =	strace s9  }
0x27: {  	s1 =	sld [smem:$0x3FAB]  }
0x28: {  	s2 =	sld [smem:$0x3FAC]  }
0x29: {  	s4 =	sld [smem:$0x3FAE]  }
0x2a: {  	p0 =	seq.s32 s5, $0x0;
	s5 =	sld [smem:$0x3FAF]  }
0x2b: {  	s6 =	sld [smem:$0x3FB0]  }
0x2c: {  	s7 =	sld [smem:$0x3FB1]  }
0x2d: {  	s3 =	simm.s32 $0x108;
	s8 =	sld [smem:$0x3FB2]  }
0x2e: {  	s3 =	simm.s32 @!p0 $0x1082;
	s9 =	sld [smem:$0x3FB3]  }
0x2f: {  	lr =	sadd.s32 s0, s3;
	s0 =	sld [smem:$0x3FAA]  }
0x30: {  	s3 =	sld [smem:$0x3FAD]  }
0x31: {  	[smem:$0x3FB6] =	sst s10  }
0x32: {  	s10 =	sld [smem:$0x3FB4];
	_ =	sdelay $0x3  }
0x33: {  	p0 =	seq.s32 s10, $0x1;
	s10 =	sld [smem:$0x3FB6];
	_ =	sdelay $0x3  }
0x34: {  	[smem:$0x3FB6] =	sst s10  }
0x35: {  	s10 =	sld [smem:$0x3FB5];
	_ =	sdelay $0x3  }
0x36: {  	p1 =	seq.s32 s10, $0x1;
	s10 =	sld [smem:$0x3FB6];
	_ =	sdelay $0x3  }
0x37: {  	[smem:$0x3FB6] =	sst s10  }
0x38: {  	s10 =	sld [smem:$0x3FB7]  }
0x39: {  	_ = 	snop;
	(pc) =	sbr.ind lr, $3  }
0x3a: {  	_ = 	snop  }
0x3b: {  	_ = 	snop  }
0x3c: {  	p2 =	seq.s32 s10, $0x1;
	s10 =	sld [smem:$0x3FB6]  }
0x3d: {  	_ =	shalt  }
0x3e: {  	_ =	shalt  }
0x3f: {  	_ =	shalt  }
0x40: {  	_ =	shalt  }
0x41: {  	_ =	shalt  }
0x42: {  	_ =	shalt  }
0x43: {  	_ =	shalt  }
0x44: {  	_ =	shalt  }
0x45: {  	_ =	shalt  }
0x46: {  	_ =	shalt  }
0x47: {  	_ =	shalt  }
0x48: {  	_ =	shalt  }
0x49: {  	_ =	shalt  }
0x4a: {  	_ =	shalt  }
0x4b: {  	_ =	shalt  }
0x4c: {  	_ =	shalt  }
0x4d: {  	_ =	shalt  }
0x4e: {  	_ =	shalt  }
0x4f: {  	_ =	shalt  }
0x50: {  	_ =	shalt  }
0x51: {  	_ =	shalt  }
0x52: {  	_ =	shalt  }
0x53: {  	_ =	shalt  }
0x54: {  	_ =	shalt  }
0x55: {  	_ =	shalt  }
0x56: {  	_ =	shalt  }
0x57: {  	_ =	shalt  }
0x58: {  	_ =	shalt  }
0x59: {  	_ =	shalt  }
0x5a: {  	_ =	shalt  }
0x5b: {  	_ =	shalt  }
0x5c: {  	_ =	shalt  }
0x5d: {  	_ =	shalt  }
0x5e: {  	_ =	shalt  }
0x5f: {  	_ =	shalt  }
0x60: {  	_ =	shalt  }
0x61: {  	_ =	shalt  }
0x62: {  	_ =	shalt  }
0x63: {  	_ =	shalt  }
0x64: {  	_ =	shalt  }
0x65: {  	_ =	shalt  }
0x66: {  	_ =	shalt  }
0x67: {  	_ =	shalt  }
0x68: {  	_ =	shalt  }
0x69: {  	_ =	shalt  }
0x6a: {  	_ =	shalt  }
0x6b: {  	_ =	shalt  }
0x6c: {  	_ =	shalt  }
0x6d: {  	_ =	shalt  }
0x6e: {  	_ =	shalt  }
0x6f: {  	_ =	shalt  }
0x70: {  	_ =	shalt  }
0x71: {  	_ =	shalt  }
0x72: {  	_ =	shalt  }
0x73: {  	_ =	shalt  }
0x74: {  	_ =	shalt  }
0x75: {  	_ =	shalt  }
0x76: {  	_ =	shalt  }
0x77: {  	_ =	shalt  }
0x78: {  	_ =	shalt  }
0x79: {  	_ =	shalt  }
0x7a: {  	_ =	shalt  }
0x7b: {  	_ =	shalt  }
0x7c: {  	_ =	shalt  }
0x7d: {  	_ =	shalt  }
0x7e: {  	_ =	shalt  }
0x7f: {  	_ =	shalt  }
0x80: {  	_ =	shalt  }
0x81: {  	_ =	shalt  }
0x82: {  	_ =	shalt  }
0x83: {  	_ =	shalt  }
0x84: {  	_ =	shalt  }
0x85: {  	_ =	shalt  }
0x86: {  	_ =	shalt  }
0x87: {  	_ =	shalt  }
.Lfunc_end0:
.L_simem_size_0:
called_computation_lowered:
.L_overlay_start_0:
0x88: {  	s2 =	sld [smem:$0x3FD9]  }
0x89: {  	s3 =	sld [smem:$0x3FFE];
	_ =	sdelay $0x1  }
0x8a: {  	s1 =	srdreg.scid  }
0x8b: {  	s0 =	sand.u32 $0x1, s1  }
0x8c: {  	s17 =	sshll.u32 s0, $0xA;
	s2 =	sadd.s32 s3, s2  }
0x8d: {  	s2 =	sadd.s32 s2, s17  }
0x8e: {  	[smem:$0x3FC2] =	sst s2  }
0x8f: {  	_ = 	snop  }
0x90: {  	s2 =	sld [smem:$0x3FD0];
	(tm) =	ssettm $0x1  }
0x91: {  	s18 =	sld [smem:$0x3FFB];
	_ =	sdelay $0x3  }
0x92: {  	_ =	strace s18  }
0x93: {  	s3 =	sld [smem:$0x3FFC];
	_ =	sdelay $0x3  }
0x94: {  	_ =	strace s3  }
0x95: {  	s3 =	sld [smem:$0x3FFD];
	_ =	sdelay $0x3  }
0x96: {  	_ =	strace s3  }
0x97: {  	_ =	strace $0x8FFFFFFF  }
0x98: {  	s19 =	sld [smem:$0x3FDB];
	_ =	sdelay $0x1  }
0x99: {  	s4 =	simm.s32 $_scs_section_size  }
0x9a: {  	s5 =	simm.s32 $_size__tile_overlayer_lowered;
	s6 =	simm.s32 $_tile_overlayer_lowered  }
0x9b: {  	s22 =	simm.s32 $0x1BFF;
	s21 =	sshll.u32 s6, $0x1;
	s3 =	sadd.s32 s4, s19  }
0x9c: {  	s7 =	simm.s32 $0x0;
	s20 =	sshll.u32 s5, $0x1;
	s5 =	sadd.s32 s21, s3  }
0x9d: {  	[timem:s7], [sflag:s22] =	dma.local [hbm:s5], s20  }
0x9e: {  	_ =	swait.ge [sflag:s22], s20  }
0x9f: {  	s4 =	ssub.s32 $0x0, s20;
	[sflag:s22] =	ssyncset.done $0x0  }
0xa0: {  	[sflag:s22] =	ssyncadd.s32 s4;
	_ =	sdelay $0x1  }
0xa1: {  	s23 =	simm.s32 $0x1B8B  }
0xa2: {  	_ =	swait.ge [sflag:s23], $0x1  }
0xa3: {  	[sflag:s23] =	ssyncset.done $0x0  }
0xa4: {  	s25 =	simm.s32 $0x1B8E;
	s24 =	sld [smem:$0x3FFE];
	[sflag:s23] =	ssyncadd.s32 $0xFFFFFFFF  }
0xa5: {  	s26 =	simm.s32 $execute0_lowered;
	[smem:$0x3FD2] =	sst s25  }
0xa6: {  	s5 =	sshll.u32 s26, $0x1;
	_ =	strace $0x80000046;
	[dreg:$0x1] =	wrdreg $0xFFFFFFFF  }
0xa7: {  	s28 =	simm.s32 $_size_execute0_lowered;
	s3 =	sadd.s32 s3, s5;
	[dreg:$0x0] =	wrdreg $0x0  }
0xa8: {  	s5 =	sshll.u32 s28, $0x1;
	[dreg:$0x2] =	wrdreg s3  }
0xa9: {  	[dreg:$0x3] =	wrdreg s5  }
0xaa: {  	[dreg:$0x4] =	wrdreg $0xC0  }
0xab: {  	_ =	task [dreg:s7], $0x5FFFF  }
0xac: {  	[dreg:$0x1] =	wrdreg $0xFFFFFFFF  }
0xad: {  	[dreg:$0x0] =	wrdreg $0x60  }
0xae: {  	[dreg:$0x2] =	wrdreg s24  }
0xaf: {  	[dreg:$0x3] =	wrdreg s2  }
0xb0: {  	[dreg:$0x4] =	wrdreg $0x41000  }
0xb1: {  	[dreg:$0x5] =	wrdreg $0x9  }
0xb2: {  	_ =	task.clear_ibuf [dreg:s7], $0x6FFFF;
	_ =	strace $0x90000046  }
0xb3: {  	s29 =	simm.s32 $0x9;
	_ =	strace $0x80000048  }
0xb4: {  	_ =	swait.ge [sflag:s29], $0x1  }
0xb5: {  	[sflag:s29] =	ssyncadd.s32 $0xFFFFFFFF  }
0xb6: {  	_ =	strace $0x90000048  }
0xb7: {  	_ =	sfence  }
0xb8: {  	s30 =	sld [smem:$0x0];
	_ =	sdelay $0x2  }
0xb9: {  	s31 =	sshll.u32 s1, $0xD;
	s1 =	sshrl.u32 s1, $0x2  }
0xba: {  	s3 =	sand.u32 $0x4000, s31;
	s1 =	sadd.s32 s1, s30  }
0xbb: {  	s0 =	sor.u32 s3, s0;
	s1 =	sshll.u32 s1, $0x11  }
0xbc: {  	s0 =	sor.u32 s1, s0  }
0xbd: {  	s0 =	sadd.s32 $0x8F2B, s0  }
0xbe: {  	[sflag:s0] =	ssyncadd.remote.s32 $0x1  }
0xbf: {  	_ =	sfence.sel $0xFFFF  }
0xc0: {  	[dreg:$0x0] =	wrdreg $0xFFFFFFFF;
	(pc) =	sbr.abs _section_cstart, $3  }
0xc1: {  	[dreg:$0x1] =	wrdreg $0xFFFFFFFF  }
0xc2: {  	_ =	task.clear_ibuf [dreg:s7], $0x2FFFF;
	_ =	strace $0x9FFFFFFF  }
0xc3: {  	(tm) =	ssettm $0x7FFFFFFF  }
tec
execute0_lowered:
.L_overlay_start_1:
0x0: {  	(tag) =	ssettag $0x1  }
0x1: {  	s6 =	rddreg [dreg:$0x0]  }
0x2: {  	s2 =	rddreg [dreg:$0x1]  }
0x3: {  	s3 =	rddreg [dreg:$0x2];
	s4 =	srdreg.scid  }
0x4: {  	s0 =	rddreg [dreg:$0x3];
	s1 =	stileid.u32  }
0x5: {  	s16 =	simm.s32 $0x80;
	s17 =	simm.s32 $0x1;
	s18 =	simm.s32 $0x2  }
0x6: {  	s19 =	simm.s32 $0x0;
	s7 =	sand.u32 $0x1, s4;
	s8 =	smul.u32 $0x2800, s1  }
0x7: {  	s4 =	simm.s32 $0x0;
	s11 =	sadd.s32 $0x2200, s6;
	s12 =	smul.u32 $0x50000, s1  }
0x8: {  	s13 =	smul.u32 $0x1400, s1;
	s14 =	sshll.u32 s1, $0x6;
	s5 =	sshll.u32 s7, $0x4  }
0x9: {  	[smem:$0x7FF] =	sst s4;
	s9 =	smul.u32 $0x28000, s7;
	s25 =	ssub.s32 $0x2, s7  }
0xa: {  	s7 =	smul.u32 $0x14000, s7;
	s14 =	sor.u32 $0x1C03, s14;
	s5 =	sor.u32 s1, s5  }
0xb: {  	_ =	strace $0x80000047;
	s26 =	sshrl.u32 s25, $0x1;
	s28 =	sshrl.u32 s12, $0x2  }
0xc: {  	s10 =	smul.u32 $0x1400, s5;
	s5 =	sadd.s32 $0x7200, s6;
	s8 =	sadd.s32 s8, s9  }
0xd: {  	s9 =	ssub.s32 s25, s26;
	s15 =	sadd.s32 s28, s3;
	s29 =	sadd.s32 s13, s7  }
0xe: {  	s13 =	simm.s32 $0x3;
	s8 =	sadd.s32 s8, s6;
	s30 =	sor.u32 $0x100, s29  }
0xf: {  	s15 =	sshrl.u32 s15, $0x3;
	s10 =	sshrl.u32 s10, $0x3;
	s7 =	sadd.s32 $0x9A00, s8  }
0x10: {  	s8 =	smax.u32 s9, $0x1;
	s6 =	sadd.s32 s11, s10;
	s10 =	sor.u32 $0x80, s29  }
0x11: {  	s12 =	sshrl.u32 s30, $0x3;
	s31 =	sshrl.u32 s10, $0x3;
	s9 =	sadd.s32 $0x270, s6  }
0x12: {  	s10 =	sadd.s32 s12, s11;
	s12 =	simm.s32 $0x100;
	s11 =	sadd.s32 s31, s11  }
.LBB2_1:
0x13: {  	[tilespmem:s12], [sflag:$0x3] =	stream.linear.gather [hbm4b:s2+s4], $0x4000, $0x38;
	[tilespmem:$0x18100] =	vst v63  }
0x14: {  	_ =	swait.ge [sflag:s13], $0x4000  }
0x15: {  	[sflag:s13] =	ssyncset.done $0x0  }
0x16: {  	[sflag:s13] =	ssyncadd.s32 $0xFFFFC000  }
0x17: {  	[spmem:s15], [sflag:s14] =	dma.local [hbm:s5], $0x2800  }
0x18: {  	_ =	swait.ge [sflag:s13], $0x2800  }
0x19: {  	[sflag:s13] =	ssyncset.done $0x0  }
0x1a: {  	[sflag:s13] =	ssyncadd.s32 $0xFFFFD800  }
0x1b: {  	[tilespmem:s4], [sflag:$0x1] =	stream.linear.gather [hbm4b:s6+s4], $0x80, $0x38;
	[tilespmem:$0x18100] =	vst v63  }
0x1c: {  	s20 =	sadd.s32 $0x0, s11;
	[bflag:$0x0] =	sbarrier.arrive $0xFFFF  }
0x1d: {  	[tilespmem:s16], [sflag:$0x2] =	stream.linear.gather [hbm4b:s20+s4], $0x80, $0x38;
	[tilespmem:$0x18100] =	vst v63  }
0x1e: {  	_ =	swait.ge [sflag:s17], $0x80  }
0x1f: {  	[sflag:s17] =	ssyncset.done $0x0  }
0x20: {  	[sflag:s17] =	ssyncadd.s32 $0xFFFFFF80  }
0x21: {  	[spmem:s3] =	stream.indirect.scatter.add.f32 [tilespmem:s12], [sflag:$0x3], $0x80, s4, s16, $0xb8;
	[tilespmem:$0x18100] =	vst v63  }
0x22: {  	_ =	swait.ge [sflag:s13], $0x4000  }
0x23: {  	[sflag:s13] =	ssyncset.done $0x0  }
0x24: {  	s31 =	sadd.s32 $0x0, s10;
	[sflag:s13] =	ssyncadd.s32 $0xFFFFC000  }
0x25: {  	[tilespmem:s4], [sflag:$0x1] =	stream.linear.gather [hbm4b:s31+s4], $0x80, $0x38;
	[tilespmem:$0x18100] =	vst v63  }
0x26: {  	_ =	swait.ge [sflag:s18], $0x80  }
0x27: {  	[sflag:s18] =	ssyncset.done $0x0  }
0x28: {  	[sflag:s18] =	ssyncadd.s32 $0xFFFFFF80  }
0x29: {  	[spmem:s3] =	stream.indirect.scatter.add.f32 [tilespmem:s12], [sflag:$0x3], $0x80, s16, s16, $0xb8;
	[tilespmem:$0x18100] =	vst v63  }
0x2a: {  	_ =	swait.ge [sflag:s13], $0x4000  }
0x2b: {  	s21 =	simm.s32 $0x40;
	s20 =	simm.s32 $0x20;
	[sflag:s13] =	ssyncset.done $0x0  }
.LBB2_2:
0x2c: {  	s22 =	sadd.s32 s20, s11  }
0x2d: {  	[sflag:s13] =	ssyncadd.s32 $0xFFFFC000;
	s23 =	smov.u32 s21;
	s24 =	sadd.s32 $0x20, s21  }
0x2e: {  	[tilespmem:s16], [sflag:$0x2] =	stream.linear.gather [hbm4b:s22+s4], $0x80, $0x38;
	[tilespmem:$0x18100] =	vst v63  }
0x2f: {  	p0 =	sne.s32 s21, $0x240;
	_ =	swait.ge [sflag:s17], $0x80  }
0x30: {  	[sflag:s17] =	ssyncset.done $0x0  }
0x31: {  	[sflag:s17] =	ssyncadd.s32 $0xFFFFFF80  }
0x32: {  	[spmem:s3] =	stream.indirect.scatter.add.f32 [tilespmem:s12], [sflag:$0x3], $0x80, s4, s16, $0xb8;
	[tilespmem:$0x18100] =	vst v63  }
0x33: {  	_ =	swait.ge [sflag:s13], $0x4000  }
0x34: {  	[sflag:s13] =	ssyncset.done $0x0  }
0x35: {  	s21 =	sadd.s32 s20, s10;
	s20 =	smov.u32 s23;
	[sflag:s13] =	ssyncadd.s32 $0xFFFFC000  }
0x36: {  	[tilespmem:s4], [sflag:$0x1] =	stream.linear.gather [hbm4b:s21+s4], $0x80, $0x38;
	[tilespmem:$0x18100] =	vst v63  }
0x37: {  	_ =	swait.ge [sflag:s18], $0x80  }
.Ltmp0:
0x38: {  	[sflag:s18] =	ssyncset.done $0x0;
	(pc) =	sbr.rel @p0 .LBB2_2-.Ltmp0, $4  }
0x39: {  	[sflag:s18] =	ssyncadd.s32 $0xFFFFFF80  }
0x3a: {  	[spmem:s3] =	stream.indirect.scatter.add.f32 [tilespmem:s12], [sflag:$0x3], $0x80, s16, s16, $0xb8;
	[tilespmem:$0x18100] =	vst v63  }
0x3b: {  	_ =	swait.ge [sflag:s13], $0x4000  }
0x3c: {  	s21 =	smov.u32 s24;
	[sflag:s13] =	ssyncset.done $0x0  }
0x3d: {  	s21 =	sadd.s32 s20, s11;
	[sflag:s13] =	ssyncadd.s32 $0xFFFFC000  }
0x3e: {  	[tilespmem:s16], [sflag:$0x2] =	stream.linear.gather [hbm4b:s21+s4], $0x80, $0x38;
	[tilespmem:$0x18100] =	vst v63  }
0x3f: {  	_ =	swait.ge [sflag:s17], $0x80  }
0x40: {  	[sflag:s17] =	ssyncset.done $0x0  }
0x41: {  	[sflag:s17] =	ssyncadd.s32 $0xFFFFFF80  }
0x42: {  	[spmem:s3] =	stream.indirect.scatter.add.f32 [tilespmem:s12], [sflag:$0x3], $0x80, s4, s16, $0xb8;
	[tilespmem:$0x18100] =	vst v63  }
0x43: {  	_ =	swait.ge [sflag:s13], $0x4000  }
0x44: {  	[sflag:s13] =	ssyncset.done $0x0  }
0x45: {  	s31 =	sadd.s32 s20, s10;
	[sflag:s13] =	ssyncadd.s32 $0xFFFFC000  }
0x46: {  	[tilespmem:s4], [sflag:$0x1] =	stream.linear.gather [hbm4b:s31+s4], $0x80, $0x38;
	[tilespmem:$0x18100] =	vst v63  }
0x47: {  	_ =	swait.ge [sflag:s18], $0x80  }
0x48: {  	[sflag:s18] =	ssyncset.done $0x0  }
0x49: {  	[sflag:s18] =	ssyncadd.s32 $0xFFFFFF80  }
0x4a: {  	[spmem:s3] =	stream.indirect.scatter.add.f32 [tilespmem:s12], [sflag:$0x3], $0x80, s16, s16, $0xb8;
	[tilespmem:$0x18100] =	vst v63  }
0x4b: {  	_ =	swait.ge [sflag:s13], $0x4000  }
0x4c: {  	[sflag:s13] =	ssyncset.done $0x0  }
0x4d: {  	[sflag:s13] =	ssyncadd.s32 $0xFFFFC000  }
0x4e: {  	[tilespmem:s16], [sflag:$0x2] =	stream.linear.gather [hbm4b:s9+s4], $0x80, $0x38;
	[tilespmem:$0x18100] =	vst v63  }
0x4f: {  	_ =	swait.ge [sflag:s17], $0x80  }
0x50: {  	[sflag:s17] =	ssyncset.done $0x0  }
0x51: {  	[sflag:s17] =	ssyncadd.s32 $0xFFFFFF80  }
0x52: {  	[spmem:s3] =	stream.indirect.scatter.add.f32 [tilespmem:s12], [sflag:$0x3], $0x80, s4, s16, $0xb8;
	[tilespmem:$0x18100] =	vst v63  }
0x53: {  	_ =	swait.ge [sflag:s13], $0x4000  }
0x54: {  	[sflag:s13] =	ssyncset.done $0x0  }
0x55: {  	[sflag:s13] =	ssyncadd.s32 $0xFFFFC000  }
0x56: {  	_ =	swait.ge [sflag:s18], $0x80  }
0x57: {  	[sflag:s18] =	ssyncset.done $0x0  }
0x58: {  	[sflag:s18] =	ssyncadd.s32 $0xFFFFFF80  }
0x59: {  	[spmem:s3] =	stream.indirect.scatter.add.f32 [tilespmem:s12], [sflag:$0x3], $0x80, s16, s16, $0xb8;
	[tilespmem:$0x18100] =	vst v63  }
0x5a: {  	_ =	swait.ge [sflag:s13], $0x4000  }
0x5b: {  	s19 =	sadd.s32 $0x1, s19;
	[sflag:s13] =	ssyncset.done $0x0  }
0x5c: {  	p0 =	sne.s32 s19, s8;
	[sflag:s13] =	ssyncadd.s32 $0xFFFFC000  }
.Ltmp1:
0x5d: {  	[bflag:$0x0] =	sbarrier.arrive $0xFFFF;
	(pc) =	sbr.rel @p0 .LBB2_1-.Ltmp1, $4  }
0x5e: {  	[hbm:s7], [sflag:s14] =	dma.local [spmem:s15], $0x2800  }
0x5f: {  	_ =	swait.ge [sflag:s13], $0x2800  }
0x60: {  	[sflag:s13] =	ssyncset.done $0x0  }
0x61: {  	[sflag:s13] =	ssyncadd.s32 $0xFFFFD800  }
0x62: {  	_ =	sfence.sel $0x180000  }
0x63: {  	[bflag:$0x0] =	sbarrier.arrive $0xFFFF  }
0x64: {  	p0 =	sne.s32 s1, $0x0;
	_ =	strace $0x90000047  }
0x65: {  	s0 =	sadd.s32 @!p0 $0x100000, s0;
	[bflag:$0x2] =	sbarrier.arrive $0xFFFF  }
0x66: {  	[sflag:s0] =	ssyncadd.tile.s32 @!p0 $0x1;
	_ =	shalt  }
.Lfunc_end2:
_tile_overlayer_lowered:
.L_overlay_start_2:
0x67: {  	(tag) =	ssettag $0x2  }
0x68: {  	s0 =	rddreg [dreg:$0x0];
	s2 =	stileid.u32  }
0x69: {  	s1 =	rddreg [dreg:$0x1];
	p0 =	sne.s32 s2, $0x0  }
0x6a: {  	s3 =	rddreg [dreg:$0x2];
	[bflag:$0x3] =	sbarrier.arrive $0xFFFF;
	s2 =	simm.s32 @!p0 $0x1C03  }
0x6b: {  	[timem:s3], [sflag:s2] =	dma.local @!p0 [hbm:s0], s1  }
0x6c: {  	s0 =	simm.s32 @!p0 $0x3  }
0x6d: {  	_ =	swait.ge @!p0 [sflag:s0], s1  }
0x6e: {  	s1 =	ssub.s32 @!p0 $0x0, s1;
	[sflag:s0] =	ssyncset.done @!p0 $0x0  }
0x6f: {  	[sflag:s0] =	ssyncadd.s32 @!p0 s1  }
0x70: {  	[bflag:$0x3] =	sbarrier.arrive $0xFFFF  }
0x71: {  	_ =	shalt  }

</sc_bundles>
